<compile_context>
chip_gen: v7x
topology: tpu7x:2x2x1
jax: 0.10.2.dev20260603
libtpu: 0.0.44.dev20260713+nightly
codegen_flags: <defaults>
</compile_context>

<pallas_src>
import jax
import jax.numpy as jnp
from jax import lax
from jax.experimental import pallas as pl
from jax.experimental.pallas import tpu as pltpu
from jax.experimental.pallas import tpu_sc as plsc

N = 1048576
NC, NS, L = 2, 16, 16
NW = NC * NS
NWL = NW * L
SH = N // NW
SS = SH // L
WL = 512
BTC = 1024
NPAD = N + 8 * BTC
NB = NPAD // BTC
NBP = 1056
W3N = 2048
NW3 = NPAD // W3N


def _route(xv, yv, zv):
    cx = (jnp.clip((xv + 1.0) / 2.0, 0.0, 0.99) * 2.0).astype(jnp.int32)
    cy = (jnp.clip((yv + 1.0) / 2.0, 0.0, 0.99) * 2.0).astype(jnp.int32)
    cz = (jnp.clip((zv + 1.0) / 2.0, 0.0, 0.99) * 2.0).astype(jnp.int32)
    return cx + 2 * cy + 4 * cz


def _wid():
    return lax.axis_index("s") * NC + lax.axis_index("c")



def _p1_body(xt_hbm, yt_hbm, zt_hbm, hist_hbm, xw, yw, zw, cv8, sx, sy, sz):
    wid = _wid()
    base = wid * (SS * L)

    def win_loop(w, acc):
        start = base + w * (WL * L)
        cx_ = pltpu.async_copy(xt_hbm.at[pl.ds(start, WL * L)], xw, sx)
        cy_ = pltpu.async_copy(yt_hbm.at[pl.ds(start, WL * L)], yw, sy)
        cz_ = pltpu.async_copy(zt_hbm.at[pl.ds(start, WL * L)], zw, sz)
        cx_.wait(); cy_.wait(); cz_.wait()

        def step(i, acc):
            o = i * L
            b = _route(xw[pl.ds(o, L)], yw[pl.ds(o, L)], zw[pl.ds(o, L)])
            return tuple(acc[e] + jnp.where(b == e, 1, 0) for e in range(8))

        return lax.fori_loop(0, WL, step, acc)

    acc0 = tuple(jnp.zeros((L,), jnp.int32) for _ in range(8))
    acc = lax.fori_loop(0, SS // WL, win_loop, acc0)
    for e in range(8):
        cv8[e] = acc[e]
    pltpu.sync_copy(cv8, hist_hbm.at[wid])



def _p2_body(xt_hbm, yt_hbm, zt_hbm, wbase_hbm,
             si_hbm, xs_hbm, ys_hbm, zs_hbm,
             xw, yw, zw, piw, dstw, wrows, sx, sy, sz, s0, s1, s2, s3):
    wid = _wid()
    base = wid * (SS * L)
    ii = lax.iota(jnp.int32, L)
    pltpu.sync_copy(wbase_hbm.at[wid], wrows)
    cnts = tuple(wrows[e] for e in range(8))

    def win_loop(w, cnts):
        start = base + w * (WL * L)
        cx_ = pltpu.async_copy(xt_hbm.at[pl.ds(start, WL * L)], xw, sx)
        cy_ = pltpu.async_copy(yt_hbm.at[pl.ds(start, WL * L)], yw, sy)
        cz_ = pltpu.async_copy(zt_hbm.at[pl.ds(start, WL * L)], zw, sz)
        cx_.wait(); cy_.wait(); cz_.wait()
        pv0 = wid * SH + ii * SS + w * WL

        def step(i, cnts):
            o = i * L
            b = _route(xw[pl.ds(o, L)], yw[pl.ds(o, L)], zw[pl.ds(o, L)])
            b0 = (b & 1) == 1
            b1 = (b & 2) == 2
            b2 = (b & 4) == 4
            d01 = jnp.where(b0, cnts[1], cnts[0])
            d23 = jnp.where(b0, cnts[3], cnts[2])
            d45 = jnp.where(b0, cnts[5], cnts[4])
            d67 = jnp.where(b0, cnts[7], cnts[6])
            dlo = jnp.where(b1, d23, d01)
            dhi = jnp.where(b1, d67, d45)
            dstw[pl.ds(o, L)] = jnp.where(b2, dhi, dlo)
            piw[pl.ds(o, L)] = pv0 + i
            return tuple(cnts[e] + jnp.where(b == e, 1, 0) for e in range(8))

        cnts = lax.fori_loop(0, WL, step, cnts)
        cc0 = pltpu.async_copy(xw, xs_hbm.at[dstw], s0)
        cc1 = pltpu.async_copy(yw, ys_hbm.at[dstw], s1)
        cc2 = pltpu.async_copy(zw, zs_hbm.at[dstw], s2)
        cc3 = pltpu.async_copy(piw, si_hbm.at[dstw], s3)
        cc0.wait(); cc1.wait(); cc2.wait(); cc3.wait()
        return cnts

    lax.fori_loop(0, SS // WL, win_loop, cnts)



def _tc_body(emap_ref, xs_ref, ys_ref, zs_ref, wl_ref, w2t_ref, out_ref):
    e = emap_ref[0, 0, 0]
    wl = wl_ref[e]
    xr = xs_ref[0]
    yr = ys_ref[0]
    zr = zs_ref[0]
    h1 = jnp.maximum(
        wl[:, 0:1] * xr + wl[:, 1:2] * yr + wl[:, 2:3] * zr + wl[:, 3:4], 0.0)
    h2 = jnp.maximum(
        jnp.dot(w2t_ref[e], h1.astype(jnp.bfloat16),
                preferred_element_type=jnp.float32) + wl[:, 4:5], 0.0)
    y = jnp.sum(h2 * wl[:, 5:6], axis=0, keepdims=True) + wl[0:1, 6:7]
    out_ref[...] = y[None]



def _p3_body(ysort_hbm, si_hbm, vblk_hbm, yfull_hbm,
             yw, siw, dstw, vblkv, sem):
    wid = _wid()
    ii = lax.iota(jnp.int32, L)
    pltpu.sync_copy(vblk_hbm, vblkv)

    def win_loop(k, _):
        win = wid + NW * k

        @pl.when(win < NW3)
        def _():
            start = win * W3N
            pltpu.async_copy(ysort_hbm.at[pl.ds(start, W3N)], yw, sem).wait()
            pltpu.async_copy(si_hbm.at[pl.ds(start, W3N)], siw, sem).wait()
            blk0 = win * (W3N // BTC)
            vbv = vblkv[pl.ds(blk0, L)]
            vb0 = vbv[0]
            vb1 = vbv[1]

            def vec2(i, _):
                o = i * L
                rp = (o % BTC) + ii
                inblk1 = o >= BTC
                vb = jnp.where(inblk1, vb1, vb0)
                sv = siw[pl.ds(o, L)]
                dstw[pl.ds(o, L)] = jnp.where(rp < vb, sv, N + ii)
                return 0

            lax.fori_loop(0, W3N // L, vec2, 0)
            pltpu.async_copy(yw, yfull_hbm.at[dstw], sem).wait()

        return 0

    lax.fori_loop(0, (NW3 + NW - 1) // NW, win_loop, 0)


@jax.jit
def kernel(x, W1, b1, W2, b2, W3, b3, local_min, local_max):
    f32, i32 = jnp.float32, jnp.int32
    mesh = plsc.VectorSubcoreMesh(core_axis_name="c", subcore_axis_name="s")

    xt3 = x.reshape(NW, L, SS, 3).transpose(0, 2, 1, 3)
    xt = xt3[..., 0].reshape(N)
    yt = xt3[..., 1].reshape(N)
    zt = xt3[..., 2].reshape(N)

    p1 = pl.kernel(
        _p1_body,
        out_type=jax.ShapeDtypeStruct((NW, 8, L), i32),
        mesh=mesh,
        scratch_types=[
            pltpu.VMEM((WL * L,), f32),
            pltpu.VMEM((WL * L,), f32),
            pltpu.VMEM((WL * L,), f32),
            pltpu.VMEM((8, L), i32),
            pltpu.SemaphoreType.DMA,
            pltpu.SemaphoreType.DMA,
            pltpu.SemaphoreType.DMA,
        ],
    )
    hist = p1(xt, yt, zt)

    cnt = hist.transpose(0, 2, 1).reshape(NWL, 8)
    used = jnp.sum(cnt, axis=0)
    bpad = ((used + BTC - 1) // BTC) * BTC
    g = jnp.concatenate(
        [jnp.zeros((1,), i32), jnp.cumsum(bpad)]).astype(i32)
    lanebase = g[:8][None, :] + jnp.cumsum(cnt, axis=0) - cnt
    wbase = lanebase.reshape(NW, L, 8).transpose(0, 2, 1)
    jblk = jnp.arange(NB, dtype=i32) * BTC
    emap = jnp.clip(
        jnp.sum((jblk[:, None] >= g[1:9][None, :]).astype(i32), axis=1), 0, 7)
    vcnt = jnp.clip(used[emap] - (jblk - g[emap]), 0, BTC).astype(i32)
    vblk = jnp.concatenate([vcnt, jnp.zeros((NBP - NB,), i32)])

    p2 = pl.kernel(
        _p2_body,
        out_type=(
            jax.ShapeDtypeStruct((NPAD,), i32),
            jax.ShapeDtypeStruct((NPAD,), f32),
            jax.ShapeDtypeStruct((NPAD,), f32),
            jax.ShapeDtypeStruct((NPAD,), f32),
        ),
        mesh=mesh,
        scratch_types=[
            pltpu.VMEM((WL * L,), f32),
            pltpu.VMEM((WL * L,), f32),
            pltpu.VMEM((WL * L,), f32),
            pltpu.VMEM((WL * L,), i32),
            pltpu.VMEM((WL * L,), i32),
            pltpu.VMEM((8, L), i32),
            pltpu.SemaphoreType.DMA,
            pltpu.SemaphoreType.DMA,
            pltpu.SemaphoreType.DMA,
            pltpu.SemaphoreType.DMA,
            pltpu.SemaphoreType.DMA,
            pltpu.SemaphoreType.DMA,
            pltpu.SemaphoreType.DMA,
        ],
    )
    si, xs, ys, zs = p2(xt, yt, zt, wbase.astype(i32))

    span = local_max - local_min
    a = 2.0 / span
    c = -1.0 - 2.0 * local_min / span
    w1p = a[:, :, None] * W1
    b1p = jnp.einsum('ed,edh->eh', c, W1) + b1
    wl = jnp.zeros((8, 64, 8), f32)
    wl = wl.at[:, :, 0:3].set(jnp.transpose(w1p, (0, 2, 1)))
    wl = wl.at[:, :, 3].set(b1p)
    wl = wl.at[:, :, 4].set(b2)
    wl = wl.at[:, :, 5].set(W3[:, :, 0])
    wl = wl.at[:, :, 6].set(jnp.broadcast_to(b3, (8, 64)))
    w2t = jnp.transpose(W2, (0, 2, 1)).astype(jnp.bfloat16)
    emap3 = jnp.broadcast_to(emap[:, None, None], (NB, 1, 16))

    ysort = pl.pallas_call(
        _tc_body,
        grid=(NB,),
        in_specs=[
            pl.BlockSpec((1, 1, 16), lambda j: (j, 0, 0)),
            pl.BlockSpec((1, 1, BTC), lambda j: (j, 0, 0)),
            pl.BlockSpec((1, 1, BTC), lambda j: (j, 0, 0)),
            pl.BlockSpec((1, 1, BTC), lambda j: (j, 0, 0)),
            pl.BlockSpec((8, 64, 8), lambda j: (0, 0, 0)),
            pl.BlockSpec((8, 64, 64), lambda j: (0, 0, 0)),
        ],
        out_specs=pl.BlockSpec((1, 1, BTC), lambda j: (j, 0, 0)),
        out_shape=jax.ShapeDtypeStruct((NB, 1, BTC), f32),
    )(emap3, xs.reshape(NB, 1, BTC), ys.reshape(NB, 1, BTC),
      zs.reshape(NB, 1, BTC), wl, w2t)

    p3 = pl.kernel(
        _p3_body,
        out_type=jax.ShapeDtypeStruct((N + 16,), f32),
        mesh=mesh,
        scratch_types=[
            pltpu.VMEM((W3N,), f32),
            pltpu.VMEM((W3N,), i32),
            pltpu.VMEM((W3N,), i32),
            pltpu.VMEM((NBP,), i32),
            pltpu.SemaphoreType.DMA,
        ],
    )
    yfull = p3(ysort.reshape(NPAD), si, vblk)
    return yfull[:N].reshape(N, 1)

# --- scband reference (transcript-rebuilt; emitter-appended) ---
"""Pipeline reference for scband-ensemble-srn-61108794687855 (READ-ONLY COPY).

The authoritative reference and input builder live on the scoring server;
editing this copy changes nothing except your own understanding.
"""

import jax, jax.numpy as jnp
import numpy as np

N = 1048576          # query points
G = (2, 2, 2)        # ensemble grid (already flipped; component 0 varies fastest)
E = G[0] * G[1] * G[2]
H = 64               # hidden width of each sub-SRN


def _make_extents():
    g0, g1, g2 = G
    mins, maxs = [], []
    for i in range(E):
        i0 = i % g0
        i1 = (i // g0) % g1
        i2 = i // (g0 * g1)
        mins.append([-1.0 + 2.0 * i0 / g0, -1.0 + 2.0 * i1 / g1, -1.0 + 2.0 * i2 / g2])
        maxs.append([-1.0 + 2.0 * (i0 + 1) / g0, -1.0 + 2.0 * (i1 + 1) / g1, -1.0 + 2.0 * (i2 + 1) / g2])
    return jnp.asarray(mins, dtype=jnp.float32), jnp.asarray(maxs, dtype=jnp.float32)


def setup_inputs(seed: int = 0) -> dict:
    key = jax.random.key(seed)
    ks = jax.random.split(key, 8)
    x = jax.random.uniform(ks[0], (N, 3), dtype=jnp.float32, minval=-1.0, maxval=1.0)
    W1 = jax.random.normal(ks[1], (E, 3, H), dtype=jnp.float32) * 0.1
    b1 = jnp.zeros((E, H), dtype=jnp.float32)
    W2 = jax.random.normal(ks[2], (E, H, H), dtype=jnp.float32) * 0.1
    b2 = jnp.zeros((E, H), dtype=jnp.float32)
    W3 = jax.random.normal(ks[3], (E, H, 1), dtype=jnp.float32) * 0.1
    b3 = jnp.zeros((E, 1), dtype=jnp.float32)
    local_min, local_max = _make_extents()
    return {"x": x, "W1": W1, "b1": b1, "W2": W2, "b2": b2, "W3": W3, "b3": b3,
            "local_min": local_min, "local_max": local_max}


def reference(x, W1, b1, W2, b2, W3, b3, local_min, local_max):
    grid = jnp.asarray(G, dtype=jnp.float32)
    # route each point to its grid cell (same math as torch forward)
    ind = jnp.clip((x + 1.0) / 2.0, 0.0, 0.99) * grid
    ind = ind.astype(jnp.int32)
    flat = ind[:, 0] + ind[:, 1] * G[0] + ind[:, 2] * (G[0] * G[1])
    y = jnp.zeros((x.shape[0], 1), dtype=x.dtype)
    for i in range(E):
        # per-cell renormalization to [-1, 1]
        xn = -1.0 + 2.0 * ((x - local_min[i]) / (local_max[i] - local_min[i]))
        h = jax.nn.relu(xn @ W1[i] + b1[i])
        h = jax.nn.relu(h @ W2[i] + b2[i])
        out = h @ W3[i] + b3[i]
        mask = (flat == i)[:, None]
        y = jnp.where(mask, out, y)
    return y

if __name__ == "__main__":
    import jax
    _d = setup_inputs()
    print(jax.jit(kernel)(*tuple(_d.values())))

</pallas_src>

<mosaic_0001>
#map = affine_map<(d0, d1) -> (0)>
#map1 = affine_map<(d0, d1) -> (0, 0, 0)>
module attributes {stable_mosaic.version = 14 : i64} {
  func.func @_p1_body(%arg0: i32, %arg1: i32, %arg2: memref<1048576xf32, #tpu.memory_space<hbm>>, %arg3: memref<1048576xf32, #tpu.memory_space<hbm>>, %arg4: memref<1048576xf32, #tpu.memory_space<hbm>>, %arg5: memref<32x8x16xi32, #tpu.memory_space<hbm>>, %arg6: memref<8192xf32, #tpu.memory_space<vmem>>, %arg7: memref<8192xf32, #tpu.memory_space<vmem>>, %arg8: memref<8192xf32, #tpu.memory_space<vmem>>, %arg9: memref<8x16xi32, #tpu.memory_space<vmem>>, %arg10: memref<!tpu.dma_semaphore, #tpu.memory_space<semaphore_mem>>, %arg11: memref<!tpu.dma_semaphore, #tpu.memory_space<semaphore_mem>>, %arg12: memref<!tpu.dma_semaphore, #tpu.memory_space<semaphore_mem>>) attributes {dimension_semantics = [#tpu.dimension_semantics<core_parallel>, #tpu.dimension_semantics<subcore_parallel>], iteration_bounds = array<i64: 2, 16>, scalar_prefetch = 0 : i64, scratch_operands = 7 : i64, tpu.core_type = #tpu.core_type<sc_vector_subcore>, window_params = [{transform_indices = #map}, {transform_indices = #map}, {transform_indices = #map}, {transform_indices = #map1}]} {
    %mul3A = arith.constant 2 : i32
    %mul3A_0 = arith.muli %arg1, %mul3A : i32
    %add3A = arith.addi %mul3A_0, %arg0 : i32
    %mul3A_1 = arith.constant 32768 : i32
    %mul3A_2 = arith.muli %add3A, %mul3A_1 : i32
    %broadcast_in_dim3A = arith.constant 0 : i32
    %broadcast_in_dim3A_3 = vector.broadcast %broadcast_in_dim3A : i32 to vector<16xi32>
    %broadcast_in_dim3A_4 = arith.constant 0 : i32
    %broadcast_in_dim3A_5 = vector.broadcast %broadcast_in_dim3A_4 : i32 to vector<16xi32>
    %broadcast_in_dim3A_6 = arith.constant 0 : i32
    %broadcast_in_dim3A_7 = vector.broadcast %broadcast_in_dim3A_6 : i32 to vector<16xi32>
    %broadcast_in_dim3A_8 = arith.constant 0 : i32
    %broadcast_in_dim3A_9 = vector.broadcast %broadcast_in_dim3A_8 : i32 to vector<16xi32>
    %broadcast_in_dim3A_10 = arith.constant 0 : i32
    %broadcast_in_dim3A_11 = vector.broadcast %broadcast_in_dim3A_10 : i32 to vector<16xi32>
    %broadcast_in_dim3A_12 = arith.constant 0 : i32
    %broadcast_in_dim3A_13 = vector.broadcast %broadcast_in_dim3A_12 : i32 to vector<16xi32>
    %broadcast_in_dim3A_14 = arith.constant 0 : i32
    %broadcast_in_dim3A_15 = vector.broadcast %broadcast_in_dim3A_14 : i32 to vector<16xi32>
    %broadcast_in_dim3A_16 = arith.constant 0 : i32
    %broadcast_in_dim3A_17 = vector.broadcast %broadcast_in_dim3A_16 : i32 to vector<16xi32>
    %scan3A = arith.constant 0 : i32
    %scan3A_18 = arith.constant 4 : i32
    %scan3A_19 = arith.addi %scan3A, %scan3A_18 : i32
    %scan3A_20 = arith.constant 1 : i32
    %scan3A_21:8 = scf.for %scan3A_70 = %scan3A to %scan3A_19 step %scan3A_20 iter_args(%scan3A_71 = %broadcast_in_dim3A_3, %scan3A_72 = %broadcast_in_dim3A_5, %scan3A_73 = %broadcast_in_dim3A_7, %scan3A_74 = %broadcast_in_dim3A_9, %scan3A_75 = %broadcast_in_dim3A_11, %scan3A_76 = %broadcast_in_dim3A_13, %scan3A_77 = %broadcast_in_dim3A_15, %scan3A_78 = %broadcast_in_dim3A_17) -> (vector<16xi32>, vector<16xi32>, vector<16xi32>, vector<16xi32>, vector<16xi32>, vector<16xi32>, vector<16xi32>, vector<16xi32>)  : i32 {
      %mul3A_79 = arith.constant 8192 : i32
      %mul3A_80 = arith.muli %scan3A_70, %mul3A_79 : i32
      %add3A_81 = arith.addi %mul3A_2, %mul3A_80 : i32
      %dma_start3A = tpu.memref_slice %arg2[%add3A_81] : memref<1048576xf32, #tpu.memory_space<hbm>> -> memref<8192xf32, #tpu.memory_space<hbm>>
      %dma_start3A_82 = tpu.memref_slice %arg2[%add3A_81] : memref<1048576xf32, #tpu.memory_space<hbm>> -> memref<8192xf32, #tpu.memory_space<hbm>>
      tpu.enqueue_dma source(%dma_start3A_82 : memref<8192xf32, #tpu.memory_space<hbm>>) target(%arg6 : memref<8192xf32, #tpu.memory_space<vmem>>) target_semaphore(%arg10 : memref<!tpu.dma_semaphore, #tpu.memory_space<semaphore_mem>>)
      %dma_start3A_83 = tpu.memref_slice %arg3[%add3A_81] : memref<1048576xf32, #tpu.memory_space<hbm>> -> memref<8192xf32, #tpu.memory_space<hbm>>
      %dma_start3A_84 = tpu.memref_slice %arg3[%add3A_81] : memref<1048576xf32, #tpu.memory_space<hbm>> -> memref<8192xf32, #tpu.memory_space<hbm>>
      tpu.enqueue_dma source(%dma_start3A_84 : memref<8192xf32, #tpu.memory_space<hbm>>) target(%arg7 : memref<8192xf32, #tpu.memory_space<vmem>>) target_semaphore(%arg11 : memref<!tpu.dma_semaphore, #tpu.memory_space<semaphore_mem>>)
      %dma_start3A_85 = tpu.memref_slice %arg4[%add3A_81] : memref<1048576xf32, #tpu.memory_space<hbm>> -> memref<8192xf32, #tpu.memory_space<hbm>>
      %dma_start3A_86 = tpu.memref_slice %arg4[%add3A_81] : memref<1048576xf32, #tpu.memory_space<hbm>> -> memref<8192xf32, #tpu.memory_space<hbm>>
      tpu.enqueue_dma source(%dma_start3A_86 : memref<8192xf32, #tpu.memory_space<hbm>>) target(%arg8 : memref<8192xf32, #tpu.memory_space<vmem>>) target_semaphore(%arg12 : memref<!tpu.dma_semaphore, #tpu.memory_space<semaphore_mem>>)
      %dma_wait3A = tpu.memref_slice %arg2[%add3A_81] : memref<1048576xf32, #tpu.memory_space<hbm>> -> memref<8192xf32, #tpu.memory_space<hbm>>
      %dma_wait3A_87 = tpu.memref_slice %arg2[%add3A_81] : memref<1048576xf32, #tpu.memory_space<hbm>> -> memref<8192xf32, #tpu.memory_space<hbm>>
      tpu.wait_dma2 semaphore(%arg10 : memref<!tpu.dma_semaphore, #tpu.memory_space<semaphore_mem>>) src(%dma_wait3A_87 : memref<8192xf32, #tpu.memory_space<hbm>>) dst(%arg6 : memref<8192xf32, #tpu.memory_space<vmem>>)
      %dma_wait3A_88 = tpu.memref_slice %arg3[%add3A_81] : memref<1048576xf32, #tpu.memory_space<hbm>> -> memref<8192xf32, #tpu.memory_space<hbm>>
      %dma_wait3A_89 = tpu.memref_slice %arg3[%add3A_81] : memref<1048576xf32, #tpu.memory_space<hbm>> -> memref<8192xf32, #tpu.memory_space<hbm>>
      tpu.wait_dma2 semaphore(%arg11 : memref<!tpu.dma_semaphore, #tpu.memory_space<semaphore_mem>>) src(%dma_wait3A_89 : memref<8192xf32, #tpu.memory_space<hbm>>) dst(%arg7 : memref<8192xf32, #tpu.memory_space<vmem>>)
      %dma_wait3A_90 = tpu.memref_slice %arg4[%add3A_81] : memref<1048576xf32, #tpu.memory_space<hbm>> -> memref<8192xf32, #tpu.memory_space<hbm>>
      %dma_wait3A_91 = tpu.memref_slice %arg4[%add3A_81] : memref<1048576xf32, #tpu.memory_space<hbm>> -> memref<8192xf32, #tpu.memory_space<hbm>>
      tpu.wait_dma2 semaphore(%arg12 : memref<!tpu.dma_semaphore, #tpu.memory_space<semaphore_mem>>) src(%dma_wait3A_91 : memref<8192xf32, #tpu.memory_space<hbm>>) dst(%arg8 : memref<8192xf32, #tpu.memory_space<vmem>>)
      %scan3A_92 = arith.constant 0 : i32
      %scan3A_93 = arith.constant 512 : i32
      %scan3A_94 = arith.addi %scan3A_92, %scan3A_93 : i32
      %scan3A_95 = arith.constant 1 : i32
      %scan3A_96:8 = scf.for %scan3A_98 = %scan3A_92 to %scan3A_94 step %scan3A_95 iter_args(%scan3A_99 = %scan3A_71, %scan3A_100 = %scan3A_72, %scan3A_101 = %scan3A_73, %scan3A_102 = %scan3A_74, %scan3A_103 = %scan3A_75, %scan3A_104 = %scan3A_76, %scan3A_105 = %scan3A_77, %scan3A_106 = %scan3A_78) -> (vector<16xi32>, vector<16xi32>, vector<16xi32>, vector<16xi32>, vector<16xi32>, vector<16xi32>, vector<16xi32>, vector<16xi32>)  : i32 {
        %mul3A_107 = arith.constant 16 : i32
        %mul3A_108 = arith.muli %scan3A_98, %mul3A_107 : i32
        %get3A = arith.index_cast %mul3A_108 : i32 to index
        %get3A_109 = tpu.vector_load %arg6[%get3A] {strides = array<i32>} : memref<8192xf32, #tpu.memory_space<vmem>>, vector<16xf32>,
        %get3A_110 = vector.shape_cast %get3A_109 : vector<16xf32> to vector<16xf32>
        %get3A_111 = arith.index_cast %mul3A_108 : i32 to index
        %get3A_112 = tpu.vector_load %arg7[%get3A_111] {strides = array<i32>} : memref<8192xf32, #tpu.memory_space<vmem>>, vector<16xf32>,
        %get3A_113 = vector.shape_cast %get3A_112 : vector<16xf32> to vector<16xf32>
        %get3A_114 = arith.index_cast %mul3A_108 : i32 to index
        %get3A_115 = tpu.vector_load %arg8[%get3A_114] {strides = array<i32>} : memref<8192xf32, #tpu.memory_space<vmem>>, vector<16xf32>,
        %get3A_116 = vector.shape_cast %get3A_115 : vector<16xf32> to vector<16xf32>
        %add3A_117 = arith.constant 1.000000e+00 : f32
        %add3A_118 = vector.broadcast %add3A_117 : f32 to vector<16xf32>
        %add3A_119 = arith.addf %get3A_110, %add3A_118 : vector<16xf32>
        %div3A = arith.constant 2.000000e+00 : f32
        %div3A_120 = vector.broadcast %div3A : f32 to vector<16xf32>
        %div3A_121 = arith.divf %add3A_119, %div3A_120 : vector<16xf32>
        %jit3A = arith.constant 0.000000e+00 : f32
        %jit3A_122 = arith.constant 9.900000e-01 : f32
        %max3A = vector.broadcast %jit3A : f32 to vector<16xf32>
        %max3A_123 = arith.maximumf %max3A, %div3A_121 : vector<16xf32>
        %min3A = vector.broadcast %jit3A_122 : f32 to vector<16xf32>
        %min3A_124 = arith.minimumf %min3A, %max3A_123 : vector<16xf32>
        %mul3A_125 = arith.constant 2.000000e+00 : f32
        %mul3A_126 = vector.broadcast %mul3A_125 : f32 to vector<16xf32>
        %mul3A_127 = arith.mulf %min3A_124, %mul3A_126 : vector<16xf32>
        %convert_element_type3A = arith.fptosi %mul3A_127 : vector<16xf32> to vector<16xi32>
        %add3A_128 = arith.constant 1.000000e+00 : f32
        %add3A_129 = vector.broadcast %add3A_128 : f32 to vector<16xf32>
        %add3A_130 = arith.addf %get3A_113, %add3A_129 : vector<16xf32>
        %div3A_131 = arith.constant 2.000000e+00 : f32
        %div3A_132 = vector.broadcast %div3A_131 : f32 to vector<16xf32>
        %div3A_133 = arith.divf %add3A_130, %div3A_132 : vector<16xf32>
        %jit3A_134 = arith.constant 0.000000e+00 : f32
        %jit3A_135 = arith.constant 9.900000e-01 : f32
        %max3A_136 = vector.broadcast %jit3A_134 : f32 to vector<16xf32>
        %max3A_137 = arith.maximumf %max3A_136, %div3A_133 : vector<16xf32>
        %min3A_138 = vector.broadcast %jit3A_135 : f32 to vector<16xf32>
        %min3A_139 = arith.minimumf %min3A_138, %max3A_137 : vector<16xf32>
        %mul3A_140 = arith.constant 2.000000e+00 : f32
        %mul3A_141 = vector.broadcast %mul3A_140 : f32 to vector<16xf32>
        %mul3A_142 = arith.mulf %min3A_139, %mul3A_141 : vector<16xf32>
        %convert_element_type3A_143 = arith.fptosi %mul3A_142 : vector<16xf32> to vector<16xi32>
        %add3A_144 = arith.constant 1.000000e+00 : f32
        %add3A_145 = vector.broadcast %add3A_144 : f32 to vector<16xf32>
        %add3A_146 = arith.addf %get3A_116, %add3A_145 : vector<16xf32>
        %div3A_147 = arith.constant 2.000000e+00 : f32
        %div3A_148 = vector.broadcast %div3A_147 : f32 to vector<16xf32>
        %div3A_149 = arith.divf %add3A_146, %div3A_148 : vector<16xf32>
        %jit3A_150 = arith.constant 0.000000e+00 : f32
        %jit3A_151 = arith.constant 9.900000e-01 : f32
        %max3A_152 = vector.broadcast %jit3A_150 : f32 to vector<16xf32>
        %max3A_153 = arith.maximumf %max3A_152, %div3A_149 : vector<16xf32>
        %min3A_154 = vector.broadcast %jit3A_151 : f32 to vector<16xf32>
        %min3A_155 = arith.minimumf %min3A_154, %max3A_153 : vector<16xf32>
        %mul3A_156 = arith.constant 2.000000e+00 : f32
        %mul3A_157 = vector.broadcast %mul3A_156 : f32 to vector<16xf32>
        %mul3A_158 = arith.mulf %min3A_155, %mul3A_157 : vector<16xf32>
        %convert_element_type3A_159 = arith.fptosi %mul3A_158 : vector<16xf32> to vector<16xi32>
        %mul3A_160 = arith.constant 2 : i32
        %mul3A_161 = vector.broadcast %mul3A_160 : i32 to vector<16xi32>
        %mul3A_162 = arith.muli %mul3A_161, %convert_element_type3A_143 : vector<16xi32>
        %add3A_163 = arith.addi %convert_element_type3A, %mul3A_162 : vector<16xi32>
        %mul3A_164 = arith.constant 4 : i32
        %mul3A_165 = vector.broadcast %mul3A_164 : i32 to vector<16xi32>
        %mul3A_166 = arith.muli %mul3A_165, %convert_element_type3A_159 : vector<16xi32>
        %add3A_167 = arith.addi %add3A_163, %mul3A_166 : vector<16xi32>
        %eq3A = arith.constant 0 : i32
        %eq3A_168 = vector.broadcast %eq3A : i32 to vector<16xi32>
        %eq3A_169 = arith.cmpi eq, %add3A_167, %eq3A_168 : vector<16xi32>
        %jit3A_170 = arith.constant 1 : i32
        %jit3A_171 = arith.constant 0 : i32
        %broadcast_in_dim3A_172 = vector.broadcast %jit3A_170 : i32 to vector<16xi32>
        %broadcast_in_dim3A_173 = vector.broadcast %jit3A_171 : i32 to vector<16xi32>
        %select_n3A = arith.select %eq3A_169, %broadcast_in_dim3A_172, %broadcast_in_dim3A_173 : vector<16xi1>, vector<16xi32>
        %add3A_174 = arith.addi %scan3A_99, %select_n3A : vector<16xi32>
        %eq3A_175 = arith.constant 1 : i32
        %eq3A_176 = vector.broadcast %eq3A_175 : i32 to vector<16xi32>
        %eq3A_177 = arith.cmpi eq, %add3A_167, %eq3A_176 : vector<16xi32>
        %jit3A_178 = arith.constant 1 : i32
        %jit3A_179 = arith.constant 0 : i32
        %broadcast_in_dim3A_180 = vector.broadcast %jit3A_178 : i32 to vector<16xi32>
        %broadcast_in_dim3A_181 = vector.broadcast %jit3A_179 : i32 to vector<16xi32>
        %select_n3A_182 = arith.select %eq3A_177, %broadcast_in_dim3A_180, %broadcast_in_dim3A_181 : vector<16xi1>, vector<16xi32>
        %add3A_183 = arith.addi %scan3A_100, %select_n3A_182 : vector<16xi32>
        %eq3A_184 = arith.constant 2 : i32
        %eq3A_185 = vector.broadcast %eq3A_184 : i32 to vector<16xi32>
        %eq3A_186 = arith.cmpi eq, %add3A_167, %eq3A_185 : vector<16xi32>
        %jit3A_187 = arith.constant 1 : i32
        %jit3A_188 = arith.constant 0 : i32
        %broadcast_in_dim3A_189 = vector.broadcast %jit3A_187 : i32 to vector<16xi32>
        %broadcast_in_dim3A_190 = vector.broadcast %jit3A_188 : i32 to vector<16xi32>
        %select_n3A_191 = arith.select %eq3A_186, %broadcast_in_dim3A_189, %broadcast_in_dim3A_190 : vector<16xi1>, vector<16xi32>
        %add3A_192 = arith.addi %scan3A_101, %select_n3A_191 : vector<16xi32>
        %eq3A_193 = arith.constant 3 : i32
        %eq3A_194 = vector.broadcast %eq3A_193 : i32 to vector<16xi32>
        %eq3A_195 = arith.cmpi eq, %add3A_167, %eq3A_194 : vector<16xi32>
        %jit3A_196 = arith.constant 1 : i32
        %jit3A_197 = arith.constant 0 : i32
        %broadcast_in_dim3A_198 = vector.broadcast %jit3A_196 : i32 to vector<16xi32>
        %broadcast_in_dim3A_199 = vector.broadcast %jit3A_197 : i32 to vector<16xi32>
        %select_n3A_200 = arith.select %eq3A_195, %broadcast_in_dim3A_198, %broadcast_in_dim3A_199 : vector<16xi1>, vector<16xi32>
        %add3A_201 = arith.addi %scan3A_102, %select_n3A_200 : vector<16xi32>
        %eq3A_202 = arith.constant 4 : i32
        %eq3A_203 = vector.broadcast %eq3A_202 : i32 to vector<16xi32>
        %eq3A_204 = arith.cmpi eq, %add3A_167, %eq3A_203 : vector<16xi32>
        %jit3A_205 = arith.constant 1 : i32
        %jit3A_206 = arith.constant 0 : i32
        %broadcast_in_dim3A_207 = vector.broadcast %jit3A_205 : i32 to vector<16xi32>
        %broadcast_in_dim3A_208 = vector.broadcast %jit3A_206 : i32 to vector<16xi32>
        %select_n3A_209 = arith.select %eq3A_204, %broadcast_in_dim3A_207, %broadcast_in_dim3A_208 : vector<16xi1>, vector<16xi32>
        %add3A_210 = arith.addi %scan3A_103, %select_n3A_209 : vector<16xi32>
        %eq3A_211 = arith.constant 5 : i32
        %eq3A_212 = vector.broadcast %eq3A_211 : i32 to vector<16xi32>
        %eq3A_213 = arith.cmpi eq, %add3A_167, %eq3A_212 : vector<16xi32>
        %jit3A_214 = arith.constant 1 : i32
        %jit3A_215 = arith.constant 0 : i32
        %broadcast_in_dim3A_216 = vector.broadcast %jit3A_214 : i32 to vector<16xi32>
        %broadcast_in_dim3A_217 = vector.broadcast %jit3A_215 : i32 to vector<16xi32>
        %select_n3A_218 = arith.select %eq3A_213, %broadcast_in_dim3A_216, %broadcast_in_dim3A_217 : vector<16xi1>, vector<16xi32>
        %add3A_219 = arith.addi %scan3A_104, %select_n3A_218 : vector<16xi32>
        %eq3A_220 = arith.constant 6 : i32
        %eq3A_221 = vector.broadcast %eq3A_220 : i32 to vector<16xi32>
        %eq3A_222 = arith.cmpi eq, %add3A_167, %eq3A_221 : vector<16xi32>
        %jit3A_223 = arith.constant 1 : i32
        %jit3A_224 = arith.constant 0 : i32
        %broadcast_in_dim3A_225 = vector.broadcast %jit3A_223 : i32 to vector<16xi32>
        %broadcast_in_dim3A_226 = vector.broadcast %jit3A_224 : i32 to vector<16xi32>
        %select_n3A_227 = arith.select %eq3A_222, %broadcast_in_dim3A_225, %broadcast_in_dim3A_226 : vector<16xi1>, vector<16xi32>
        %add3A_228 = arith.addi %scan3A_105, %select_n3A_227 : vector<16xi32>
        %eq3A_229 = arith.constant 7 : i32
        %eq3A_230 = vector.broadcast %eq3A_229 : i32 to vector<16xi32>
        %eq3A_231 = arith.cmpi eq, %add3A_167, %eq3A_230 : vector<16xi32>
        %jit3A_232 = arith.constant 1 : i32
        %jit3A_233 = arith.constant 0 : i32
        %broadcast_in_dim3A_234 = vector.broadcast %jit3A_232 : i32 to vector<16xi32>
        %broadcast_in_dim3A_235 = vector.broadcast %jit3A_233 : i32 to vector<16xi32>
        %select_n3A_236 = arith.select %eq3A_231, %broadcast_in_dim3A_234, %broadcast_in_dim3A_235 : vector<16xi1>, vector<16xi32>
        %add3A_237 = arith.addi %scan3A_106, %select_n3A_236 : vector<16xi32>
        scf.yield %add3A_174, %add3A_183, %add3A_192, %add3A_201, %add3A_210, %add3A_219, %add3A_228, %add3A_237 : vector<16xi32>, vector<16xi32>, vector<16xi32>, vector<16xi32>, vector<16xi32>, vector<16xi32>, vector<16xi32>, vector<16xi32>
      }
      %scan3A_97 = arith.constant 512 : i32
      scf.yield %scan3A_96#0, %scan3A_96#1, %scan3A_96#2, %scan3A_96#3, %scan3A_96#4, %scan3A_96#5, %scan3A_96#6, %scan3A_96#7 : vector<16xi32>, vector<16xi32>, vector<16xi32>, vector<16xi32>, vector<16xi32>, vector<16xi32>, vector<16xi32>, vector<16xi32>
    }
    %scan3A_22 = arith.constant 4 : i32
    %swap3A = arith.constant 0 : i32
    %swap3A_23 = arith.index_cast %swap3A : i32 to index
    %swap3A_24 = arith.constant 0 : index
    %swap3A_25 = tpu.vector_load %arg9[%swap3A_23, %swap3A_24] {strides = array<i32>} : memref<8x16xi32, #tpu.memory_space<vmem>>, vector<1x16xi32>,
    %swap3A_26 = vector.shape_cast %swap3A_25 : vector<1x16xi32> to vector<16xi32>
    %swap3A_27 = vector.shape_cast %scan3A_21#0 : vector<16xi32> to vector<1x16xi32>
    tpu.vector_store %arg9[%swap3A_23, %swap3A_24], %swap3A_27 {strides = array<i32>} : memref<8x16xi32, #tpu.memory_space<vmem>>, vector<1x16xi32>,
    %swap3A_28 = arith.constant 1 : i32
    %swap3A_29 = arith.index_cast %swap3A_28 : i32 to index
    %swap3A_30 = arith.constant 0 : index
    %swap3A_31 = tpu.vector_load %arg9[%swap3A_29, %swap3A_30] {strides = array<i32>} : memref<8x16xi32, #tpu.memory_space<vmem>>, vector<1x16xi32>,
    %swap3A_32 = vector.shape_cast %swap3A_31 : vector<1x16xi32> to vector<16xi32>
    %swap3A_33 = vector.shape_cast %scan3A_21#1 : vector<16xi32> to vector<1x16xi32>
    tpu.vector_store %arg9[%swap3A_29, %swap3A_30], %swap3A_33 {strides = array<i32>} : memref<8x16xi32, #tpu.memory_space<vmem>>, vector<1x16xi32>,
    %swap3A_34 = arith.constant 2 : i32
    %swap3A_35 = arith.index_cast %swap3A_34 : i32 to index
    %swap3A_36 = arith.constant 0 : index
    %swap3A_37 = tpu.vector_load %arg9[%swap3A_35, %swap3A_36] {strides = array<i32>} : memref<8x16xi32, #tpu.memory_space<vmem>>, vector<1x16xi32>,
    %swap3A_38 = vector.shape_cast %swap3A_37 : vector<1x16xi32> to vector<16xi32>
    %swap3A_39 = vector.shape_cast %scan3A_21#2 : vector<16xi32> to vector<1x16xi32>
    tpu.vector_store %arg9[%swap3A_35, %swap3A_36], %swap3A_39 {strides = array<i32>} : memref<8x16xi32, #tpu.memory_space<vmem>>, vector<1x16xi32>,
    %swap3A_40 = arith.constant 3 : i32
    %swap3A_41 = arith.index_cast %swap3A_40 : i32 to index
    %swap3A_42 = arith.constant 0 : index
    %swap3A_43 = tpu.vector_load %arg9[%swap3A_41, %swap3A_42] {strides = array<i32>} : memref<8x16xi32, #tpu.memory_space<vmem>>, vector<1x16xi32>,
    %swap3A_44 = vector.shape_cast %swap3A_43 : vector<1x16xi32> to vector<16xi32>
    %swap3A_45 = vector.shape_cast %scan3A_21#3 : vector<16xi32> to vector<1x16xi32>
    tpu.vector_store %arg9[%swap3A_41, %swap3A_42], %swap3A_45 {strides = array<i32>} : memref<8x16xi32, #tpu.memory_space<vmem>>, vector<1x16xi32>,
    %swap3A_46 = arith.constant 4 : i32
    %swap3A_47 = arith.index_cast %swap3A_46 : i32 to index
    %swap3A_48 = arith.constant 0 : index
    %swap3A_49 = tpu.vector_load %arg9[%swap3A_47, %swap3A_48] {strides = array<i32>} : memref<8x16xi32, #tpu.memory_space<vmem>>, vector<1x16xi32>,
    %swap3A_50 = vector.shape_cast %swap3A_49 : vector<1x16xi32> to vector<16xi32>
    %swap3A_51 = vector.shape_cast %scan3A_21#4 : vector<16xi32> to vector<1x16xi32>
    tpu.vector_store %arg9[%swap3A_47, %swap3A_48], %swap3A_51 {strides = array<i32>} : memref<8x16xi32, #tpu.memory_space<vmem>>, vector<1x16xi32>,
    %swap3A_52 = arith.constant 5 : i32
    %swap3A_53 = arith.index_cast %swap3A_52 : i32 to index
    %swap3A_54 = arith.constant 0 : index
    %swap3A_55 = tpu.vector_load %arg9[%swap3A_53, %swap3A_54] {strides = array<i32>} : memref<8x16xi32, #tpu.memory_space<vmem>>, vector<1x16xi32>,
    %swap3A_56 = vector.shape_cast %swap3A_55 : vector<1x16xi32> to vector<16xi32>
    %swap3A_57 = vector.shape_cast %scan3A_21#5 : vector<16xi32> to vector<1x16xi32>
    tpu.vector_store %arg9[%swap3A_53, %swap3A_54], %swap3A_57 {strides = array<i32>} : memref<8x16xi32, #tpu.memory_space<vmem>>, vector<1x16xi32>,
    %swap3A_58 = arith.constant 6 : i32
    %swap3A_59 = arith.index_cast %swap3A_58 : i32 to index
    %swap3A_60 = arith.constant 0 : index
    %swap3A_61 = tpu.vector_load %arg9[%swap3A_59, %swap3A_60] {strides = array<i32>} : memref<8x16xi32, #tpu.memory_space<vmem>>, vector<1x16xi32>,
    %swap3A_62 = vector.shape_cast %swap3A_61 : vector<1x16xi32> to vector<16xi32>
    %swap3A_63 = vector.shape_cast %scan3A_21#6 : vector<16xi32> to vector<1x16xi32>
    tpu.vector_store %arg9[%swap3A_59, %swap3A_60], %swap3A_63 {strides = array<i32>} : memref<8x16xi32, #tpu.memory_space<vmem>>, vector<1x16xi32>,
    %swap3A_64 = arith.constant 7 : i32
    %swap3A_65 = arith.index_cast %swap3A_64 : i32 to index
    %swap3A_66 = arith.constant 0 : index
    %swap3A_67 = tpu.vector_load %arg9[%swap3A_65, %swap3A_66] {strides = array<i32>} : memref<8x16xi32, #tpu.memory_space<vmem>>, vector<1x16xi32>,
    %swap3A_68 = vector.shape_cast %swap3A_67 : vector<1x16xi32> to vector<16xi32>
    %swap3A_69 = vector.shape_cast %scan3A_21#7 : vector<16xi32> to vector<1x16xi32>
    tpu.vector_store %arg9[%swap3A_65, %swap3A_66], %swap3A_69 {strides = array<i32>} : memref<8x16xi32, #tpu.memory_space<vmem>>, vector<1x16xi32>,
    "tpu.region"() ({
      %run_scoped3A = tpu.sem_alloc : memref<!tpu.dma_semaphore, #tpu.memory_space<semaphore_mem>>
      %dma_start3A = arith.constant 0 : i32
      %dma_start3A_70 = arith.constant 0 : i32
      %dma_start3A_71 = tpu.memref_slice %arg5[%add3A, %dma_start3A, %dma_start3A_70] : memref<32x8x16xi32, #tpu.memory_space<hbm>> -> memref<1x8x16xi32, #tpu.memory_space<hbm>>
      %dma_start3A_72 = tpu.memref_squeeze %dma_start3A_71 : memref<1x8x16xi32, #tpu.memory_space<hbm>> -> memref<8x16xi32, #tpu.memory_space<hbm>>
      %dma_start3A_73 = arith.constant 0 : i32
      %dma_start3A_74 = arith.constant 0 : i32
      %dma_start3A_75 = tpu.memref_slice %arg5[%add3A, %dma_start3A_73, %dma_start3A_74] : memref<32x8x16xi32, #tpu.memory_space<hbm>> -> memref<1x8x16xi32, #tpu.memory_space<hbm>>
      %dma_start3A_76 = tpu.memref_squeeze %dma_start3A_75 : memref<1x8x16xi32, #tpu.memory_space<hbm>> -> memref<8x16xi32, #tpu.memory_space<hbm>>
      tpu.enqueue_dma source(%arg9 : memref<8x16xi32, #tpu.memory_space<vmem>>) target(%dma_start3A_76 : memref<8x16xi32, #tpu.memory_space<hbm>>) target_semaphore(%run_scoped3A : memref<!tpu.dma_semaphore, #tpu.memory_space<semaphore_mem>>)
      %dma_wait3A = arith.constant 0 : i32
      %dma_wait3A_77 = arith.constant 0 : i32
      %dma_wait3A_78 = tpu.memref_slice %arg5[%add3A, %dma_wait3A, %dma_wait3A_77] : memref<32x8x16xi32, #tpu.memory_space<hbm>> -> memref<1x8x16xi32, #tpu.memory_space<hbm>>
      %dma_wait3A_79 = tpu.memref_squeeze %dma_wait3A_78 : memref<1x8x16xi32, #tpu.memory_space<hbm>> -> memref<8x16xi32, #tpu.memory_space<hbm>>
      %dma_wait3A_80 = arith.constant 0 : i32
      %dma_wait3A_81 = arith.constant 0 : i32
      %dma_wait3A_82 = tpu.memref_slice %arg5[%add3A, %dma_wait3A_80, %dma_wait3A_81] : memref<32x8x16xi32, #tpu.memory_space<hbm>> -> memref<1x8x16xi32, #tpu.memory_space<hbm>>
      %dma_wait3A_83 = tpu.memref_squeeze %dma_wait3A_82 : memref<1x8x16xi32, #tpu.memory_space<hbm>> -> memref<8x16xi32, #tpu.memory_space<hbm>>
      tpu.wait_dma2 semaphore(%run_scoped3A : memref<!tpu.dma_semaphore, #tpu.memory_space<semaphore_mem>>) src(%arg9 : memref<8x16xi32, #tpu.memory_space<vmem>>) dst(%dma_wait3A_83 : memref<8x16xi32, #tpu.memory_space<hbm>>)
      tpu.yield
    }) : () -> ()
    return
  }
}

#map = affine_map<(d0, d1) -> (0)>
module attributes {stable_mosaic.version = 14 : i64} {
  func.func @_p3_body(%arg0: i32, %arg1: i32, %arg2: memref<1056768xf32, #tpu.memory_space<hbm>>, %arg3: memref<1056768xi32, #tpu.memory_space<hbm>>, %arg4: memref<1056xi32, #tpu.memory_space<hbm>>, %arg5: memref<1048592xf32, #tpu.memory_space<hbm>>, %arg6: memref<2048xf32, #tpu.memory_space<vmem>>, %arg7: memref<2048xi32, #tpu.memory_space<vmem>>, %arg8: memref<2048xi32, #tpu.memory_space<vmem>>, %arg9: memref<1056xi32, #tpu.memory_space<vmem>>, %arg10: memref<!tpu.dma_semaphore, #tpu.memory_space<semaphore_mem>>) attributes {dimension_semantics = [#tpu.dimension_semantics<core_parallel>, #tpu.dimension_semantics<subcore_parallel>], iteration_bounds = array<i64: 2, 16>, scalar_prefetch = 0 : i64, scratch_operands = 5 : i64, tpu.core_type = #tpu.core_type<sc_vector_subcore>, window_params = [{transform_indices = #map}, {transform_indices = #map}, {transform_indices = #map}, {transform_indices = #map}]} {
    %mul3A = arith.constant 2 : i32
    %mul3A_0 = arith.muli %arg1, %mul3A : i32
    %add3A = arith.addi %mul3A_0, %arg0 : i32
    %iota3A = tpu.iota {dimensions = array<i32: 0>} : vector<16xi32>
    "tpu.region"() ({
      %run_scoped3A = tpu.sem_alloc : memref<!tpu.dma_semaphore, #tpu.memory_space<semaphore_mem>>
      tpu.enqueue_dma source(%arg4 : memref<1056xi32, #tpu.memory_space<hbm>>) target(%arg9 : memref<1056xi32, #tpu.memory_space<vmem>>) target_semaphore(%run_scoped3A : memref<!tpu.dma_semaphore, #tpu.memory_space<semaphore_mem>>)
      tpu.wait_dma2 semaphore(%run_scoped3A : memref<!tpu.dma_semaphore, #tpu.memory_space<semaphore_mem>>) src(%arg4 : memref<1056xi32, #tpu.memory_space<hbm>>) dst(%arg9 : memref<1056xi32, #tpu.memory_space<vmem>>)
      tpu.yield
    }) : () -> ()
    %scan3A = arith.constant 0 : i32
    %scan3A_1 = arith.constant 0 : i32
    %scan3A_2 = arith.constant 17 : i32
    %scan3A_3 = arith.addi %scan3A_1, %scan3A_2 : i32
    %scan3A_4 = arith.constant 1 : i32
    %scan3A_5 = scf.for %scan3A_7 = %scan3A_1 to %scan3A_3 step %scan3A_4 iter_args(%scan3A_8 = %scan3A) -> (i32)  : i32 {
      %mul3A_9 = arith.constant 32 : i32
      %mul3A_10 = arith.muli %mul3A_9, %scan3A_7 : i32
      %add3A_11 = arith.addi %add3A, %mul3A_10 : i32
      %lt3A = arith.constant 516 : i32
      %lt3A_12 = arith.cmpi slt, %add3A_11, %lt3A : i32
      %convert_element_type3A = arith.extui %lt3A_12 : i1 to i32
      %cond3A = arith.constant 0 : i32
      %cond3A_13 = arith.cmpi ne, %convert_element_type3A, %cond3A : i32
      scf.if %cond3A_13 {
        %mul3A_15 = arith.constant 2048 : i32
        %mul3A_16 = arith.muli %add3A_11, %mul3A_15 : i32
        %dma_start3A = tpu.memref_slice %arg2[%mul3A_16] : memref<1056768xf32, #tpu.memory_space<hbm>> -> memref<2048xf32, #tpu.memory_space<hbm>>
        %dma_start3A_17 = tpu.memref_slice %arg2[%mul3A_16] : memref<1056768xf32, #tpu.memory_space<hbm>> -> memref<2048xf32, #tpu.memory_space<hbm>>
        tpu.enqueue_dma source(%dma_start3A_17 : memref<2048xf32, #tpu.memory_space<hbm>>) target(%arg6 : memref<2048xf32, #tpu.memory_space<vmem>>) target_semaphore(%arg10 : memref<!tpu.dma_semaphore, #tpu.memory_space<semaphore_mem>>)
        %dma_wait3A = tpu.memref_slice %arg2[%mul3A_16] : memref<1056768xf32, #tpu.memory_space<hbm>> -> memref<2048xf32, #tpu.memory_space<hbm>>
        %dma_wait3A_18 = tpu.memref_slice %arg2[%mul3A_16] : memref<1056768xf32, #tpu.memory_space<hbm>> -> memref<2048xf32, #tpu.memory_space<hbm>>
        tpu.wait_dma2 semaphore(%arg10 : memref<!tpu.dma_semaphore, #tpu.memory_space<semaphore_mem>>) src(%dma_wait3A_18 : memref<2048xf32, #tpu.memory_space<hbm>>) dst(%arg6 : memref<2048xf32, #tpu.memory_space<vmem>>)
        %dma_start3A_19 = tpu.memref_slice %arg3[%mul3A_16] : memref<1056768xi32, #tpu.memory_space<hbm>> -> memref<2048xi32, #tpu.memory_space<hbm>>
        %dma_start3A_20 = tpu.memref_slice %arg3[%mul3A_16] : memref<1056768xi32, #tpu.memory_space<hbm>> -> memref<2048xi32, #tpu.memory_space<hbm>>
        tpu.enqueue_dma source(%dma_start3A_20 : memref<2048xi32, #tpu.memory_space<hbm>>) target(%arg7 : memref<2048xi32, #tpu.memory_space<vmem>>) target_semaphore(%arg10 : memref<!tpu.dma_semaphore, #tpu.memory_space<semaphore_mem>>)
        %dma_wait3A_21 = tpu.memref_slice %arg3[%mul3A_16] : memref<1056768xi32, #tpu.memory_space<hbm>> -> memref<2048xi32, #tpu.memory_space<hbm>>
        %dma_wait3A_22 = tpu.memref_slice %arg3[%mul3A_16] : memref<1056768xi32, #tpu.memory_space<hbm>> -> memref<2048xi32, #tpu.memory_space<hbm>>
        tpu.wait_dma2 semaphore(%arg10 : memref<!tpu.dma_semaphore, #tpu.memory_space<semaphore_mem>>) src(%dma_wait3A_22 : memref<2048xi32, #tpu.memory_space<hbm>>) dst(%arg7 : memref<2048xi32, #tpu.memory_space<vmem>>)
        %mul3A_23 = arith.constant 2 : i32
        %mul3A_24 = arith.muli %add3A_11, %mul3A_23 : i32
        %get3A = arith.index_cast %mul3A_24 : i32 to index
        %get3A_25 = tpu.vector_load %arg9[%get3A] {strides = array<i32>} : memref<1056xi32, #tpu.memory_space<vmem>>, vector<16xi32>,
        %get3A_26 = vector.shape_cast %get3A_25 : vector<16xi32> to vector<16xi32>
        %slice3A = vector.extract_strided_slice %get3A_26 {offsets = [0], sizes = [1], strides = [1]} : vector<16xi32> to vector<1xi32>
        %squeeze3A = vector.extract %slice3A[0] : i32 from vector<1xi32>
        %slice3A_27 = vector.extract_strided_slice %get3A_26 {offsets = [1], sizes = [1], strides = [1]} : vector<16xi32> to vector<1xi32>
        %squeeze3A_28 = vector.extract %slice3A_27[0] : i32 from vector<1xi32>
        %scan3A_29 = arith.constant 0 : i32
        %scan3A_30 = arith.constant 0 : i32
        %scan3A_31 = arith.constant 128 : i32
        %scan3A_32 = arith.addi %scan3A_30, %scan3A_31 : i32
        %scan3A_33 = arith.constant 1 : i32
        %scan3A_34 = scf.for %scan3A_40 = %scan3A_30 to %scan3A_32 step %scan3A_33 iter_args(%scan3A_41 = %scan3A_29) -> (i32)  : i32 {
          %mul3A_42 = arith.constant 16 : i32
          %mul3A_43 = arith.muli %scan3A_40, %mul3A_42 : i32
          %jit3A = arith.constant 1024 : i32
          %eq3A = arith.constant 0 : i32
          %eq3A_44 = arith.cmpi eq, %jit3A, %eq3A : i32
          %jit3A_45 = arith.constant 1 : i32
          %select_n3A = arith.select %eq3A_44, %jit3A_45, %jit3A : i32
          %rem3A = arith.remsi %mul3A_43, %select_n3A : i32
          %ne3A = arith.constant 0 : i32
          %ne3A_46 = arith.cmpi ne, %rem3A, %ne3A : i32
          %lt3A_47 = arith.constant 0 : i32
          %lt3A_48 = arith.cmpi slt, %rem3A, %lt3A_47 : i32
          %lt3A_49 = arith.constant 0 : i32
          %lt3A_50 = arith.cmpi slt, %select_n3A, %lt3A_49 : i32
          %ne3A_51 = arith.xori %lt3A_48, %lt3A_50 : i1
          %and3A = arith.andi %ne3A_51, %ne3A_46 : i1
          %add3A_52 = arith.addi %rem3A, %select_n3A : i32
          %select_n3A_53 = arith.select %and3A, %add3A_52, %rem3A : i32
          %add3A_54 = vector.broadcast %select_n3A_53 : i32 to vector<16xi32>
          %add3A_55 = arith.addi %add3A_54, %iota3A : vector<16xi32>
          %ge3A = arith.constant 1024 : i32
          %ge3A_56 = arith.cmpi sge, %mul3A_43, %ge3A : i32
          %select_n3A_57 = arith.select %ge3A_56, %squeeze3A_28, %squeeze3A : i32
          %get3A_58 = arith.index_cast %mul3A_43 : i32 to index
          %get3A_59 = tpu.vector_load %arg7[%get3A_58] {strides = array<i32>} : memref<2048xi32, #tpu.memory_space<vmem>>, vector<16xi32>,
          %get3A_60 = vector.shape_cast %get3A_59 : vector<16xi32> to vector<16xi32>
          %lt3A_61 = vector.broadcast %select_n3A_57 : i32 to vector<16xi32>
          %lt3A_62 = arith.cmpi slt, %add3A_55, %lt3A_61 : vector<16xi32>
          %add3A_63 = arith.constant 1048576 : i32
          %add3A_64 = vector.broadcast %add3A_63 : i32 to vector<16xi32>
          %add3A_65 = arith.addi %add3A_64, %iota3A : vector<16xi32>
          %select_n3A_66 = arith.select %lt3A_62, %get3A_60, %add3A_65 : vector<16xi1>, vector<16xi32>
          %swap3A = arith.index_cast %mul3A_43 : i32 to index
          %swap3A_67 = tpu.vector_load %arg8[%swap3A] {strides = array<i32>} : memref<2048xi32, #tpu.memory_space<vmem>>, vector<16xi32>,
          %swap3A_68 = vector.shape_cast %swap3A_67 : vector<16xi32> to vector<16xi32>
          %swap3A_69 = vector.shape_cast %select_n3A_66 : vector<16xi32> to vector<16xi32>
          tpu.vector_store %arg8[%swap3A], %swap3A_69 {strides = array<i32>} : memref<2048xi32, #tpu.memory_space<vmem>>, vector<16xi32>,
          %scan3A_70 = arith.constant 0 : i32
          scf.yield %scan3A_70 : i32
        }
        %scan3A_35 = arith.constant 128 : i32
        %dma_start3A_36 = arith.constant 0 : i32
        %dma_start3A_37 = tpu.memref_slice %arg5[%dma_start3A_36] : memref<1048592xf32, #tpu.memory_space<hbm>> -> memref<1048592xf32, #tpu.memory_space<hbm>>
        tpu.enqueue_indirect_dma source(%arg6 : memref<2048xf32, #tpu.memory_space<vmem>>) target(%dma_start3A_37 : memref<1048592xf32, #tpu.memory_space<hbm>>) offsets(%arg8 : memref<2048xi32, #tpu.memory_space<vmem>>) semaphore(%arg10 : memref<!tpu.dma_semaphore, #tpu.memory_space<semaphore_mem>>)
        %dma_wait3A_38 = arith.constant 0 : i32
        %dma_wait3A_39 = tpu.memref_slice %arg5[%dma_wait3A_38] : memref<1048592xf32, #tpu.memory_space<hbm>> -> memref<1048592xf32, #tpu.memory_space<hbm>>
        tpu.wait_indirect_dma semaphore(%arg10 : memref<!tpu.dma_semaphore, #tpu.memory_space<semaphore_mem>>) src(%arg6 : memref<2048xf32, #tpu.memory_space<vmem>>) dst(%dma_wait3A_39 : memref<1048592xf32, #tpu.memory_space<hbm>>)
      } else {
      }
      %scan3A_14 = arith.constant 0 : i32
      scf.yield %scan3A_14 : i32
    }
    %scan3A_6 = arith.constant 17 : i32
    return
  }
}

#map = affine_map<(d0, d1) -> (0)>
#map1 = affine_map<(d0, d1) -> (0, 0, 0)>
module attributes {stable_mosaic.version = 14 : i64} {
  func.func @_p2_body(%arg0: i32, %arg1: i32, %arg2: memref<1048576xf32, #tpu.memory_space<hbm>>, %arg3: memref<1048576xf32, #tpu.memory_space<hbm>>, %arg4: memref<1048576xf32, #tpu.memory_space<hbm>>, %arg5: memref<32x8x16xi32, #tpu.memory_space<hbm>>, %arg6: memref<1056768xi32, #tpu.memory_space<hbm>>, %arg7: memref<1056768xf32, #tpu.memory_space<hbm>>, %arg8: memref<1056768xf32, #tpu.memory_space<hbm>>, %arg9: memref<1056768xf32, #tpu.memory_space<hbm>>, %arg10: memref<8192xf32, #tpu.memory_space<vmem>>, %arg11: memref<8192xf32, #tpu.memory_space<vmem>>, %arg12: memref<8192xf32, #tpu.memory_space<vmem>>, %arg13: memref<8192xi32, #tpu.memory_space<vmem>>, %arg14: memref<8192xi32, #tpu.memory_space<vmem>>, %arg15: memref<8x16xi32, #tpu.memory_space<vmem>>, %arg16: memref<!tpu.dma_semaphore, #tpu.memory_space<semaphore_mem>>, %arg17: memref<!tpu.dma_semaphore, #tpu.memory_space<semaphore_mem>>, %arg18: memref<!tpu.dma_semaphore, #tpu.memory_space<semaphore_mem>>, %arg19: memref<!tpu.dma_semaphore, #tpu.memory_space<semaphore_mem>>, %arg20: memref<!tpu.dma_semaphore, #tpu.memory_space<semaphore_mem>>, %arg21: memref<!tpu.dma_semaphore, #tpu.memory_space<semaphore_mem>>, %arg22: memref<!tpu.dma_semaphore, #tpu.memory_space<semaphore_mem>>) attributes {dimension_semantics = [#tpu.dimension_semantics<core_parallel>, #tpu.dimension_semantics<subcore_parallel>], iteration_bounds = array<i64: 2, 16>, scalar_prefetch = 0 : i64, scratch_operands = 13 : i64, tpu.core_type = #tpu.core_type<sc_vector_subcore>, window_params = [{transform_indices = #map}, {transform_indices = #map}, {transform_indices = #map}, {transform_indices = #map1}, {transform_indices = #map}, {transform_indices = #map}, {transform_indices = #map}, {transform_indices = #map}]} {
    %mul3A = arith.constant 2 : i32
    %mul3A_0 = arith.muli %arg1, %mul3A : i32
    %add3A = arith.addi %mul3A_0, %arg0 : i32
    %mul3A_1 = arith.constant 32768 : i32
    %mul3A_2 = arith.muli %add3A, %mul3A_1 : i32
    %iota3A = tpu.iota {dimensions = array<i32: 0>} : vector<16xi32>
    "tpu.region"() ({
      %run_scoped3A = tpu.sem_alloc : memref<!tpu.dma_semaphore, #tpu.memory_space<semaphore_mem>>
      %dma_start3A = arith.constant 0 : i32
      %dma_start3A_47 = arith.constant 0 : i32
      %dma_start3A_48 = tpu.memref_slice %arg5[%add3A, %dma_start3A, %dma_start3A_47] : memref<32x8x16xi32, #tpu.memory_space<hbm>> -> memref<1x8x16xi32, #tpu.memory_space<hbm>>
      %dma_start3A_49 = tpu.memref_squeeze %dma_start3A_48 : memref<1x8x16xi32, #tpu.memory_space<hbm>> -> memref<8x16xi32, #tpu.memory_space<hbm>>
      %dma_start3A_50 = arith.constant 0 : i32
      %dma_start3A_51 = arith.constant 0 : i32
      %dma_start3A_52 = tpu.memref_slice %arg5[%add3A, %dma_start3A_50, %dma_start3A_51] : memref<32x8x16xi32, #tpu.memory_space<hbm>> -> memref<1x8x16xi32, #tpu.memory_space<hbm>>
      %dma_start3A_53 = tpu.memref_squeeze %dma_start3A_52 : memref<1x8x16xi32, #tpu.memory_space<hbm>> -> memref<8x16xi32, #tpu.memory_space<hbm>>
      tpu.enqueue_dma source(%dma_start3A_53 : memref<8x16xi32, #tpu.memory_space<hbm>>) target(%arg15 : memref<8x16xi32, #tpu.memory_space<vmem>>) target_semaphore(%run_scoped3A : memref<!tpu.dma_semaphore, #tpu.memory_space<semaphore_mem>>)
      %dma_wait3A = arith.constant 0 : i32
      %dma_wait3A_54 = arith.constant 0 : i32
      %dma_wait3A_55 = tpu.memref_slice %arg5[%add3A, %dma_wait3A, %dma_wait3A_54] : memref<32x8x16xi32, #tpu.memory_space<hbm>> -> memref<1x8x16xi32, #tpu.memory_space<hbm>>
      %dma_wait3A_56 = tpu.memref_squeeze %dma_wait3A_55 : memref<1x8x16xi32, #tpu.memory_space<hbm>> -> memref<8x16xi32, #tpu.memory_space<hbm>>
      %dma_wait3A_57 = arith.constant 0 : i32
      %dma_wait3A_58 = arith.constant 0 : i32
      %dma_wait3A_59 = tpu.memref_slice %arg5[%add3A, %dma_wait3A_57, %dma_wait3A_58] : memref<32x8x16xi32, #tpu.memory_space<hbm>> -> memref<1x8x16xi32, #tpu.memory_space<hbm>>
      %dma_wait3A_60 = tpu.memref_squeeze %dma_wait3A_59 : memref<1x8x16xi32, #tpu.memory_space<hbm>> -> memref<8x16xi32, #tpu.memory_space<hbm>>
      tpu.wait_dma2 semaphore(%run_scoped3A : memref<!tpu.dma_semaphore, #tpu.memory_space<semaphore_mem>>) src(%dma_wait3A_60 : memref<8x16xi32, #tpu.memory_space<hbm>>) dst(%arg15 : memref<8x16xi32, #tpu.memory_space<vmem>>)
      tpu.yield
    }) : () -> ()
    %get3A = arith.constant 0 : i32
    %get3A_3 = arith.index_cast %get3A : i32 to index
    %get3A_4 = arith.constant 0 : index
    %get3A_5 = tpu.vector_load %arg15[%get3A_3, %get3A_4] {strides = array<i32>} : memref<8x16xi32, #tpu.memory_space<vmem>>, vector<1x16xi32>,
    %get3A_6 = vector.shape_cast %get3A_5 : vector<1x16xi32> to vector<16xi32>
    %get3A_7 = arith.constant 1 : i32
    %get3A_8 = arith.index_cast %get3A_7 : i32 to index
    %get3A_9 = arith.constant 0 : index
    %get3A_10 = tpu.vector_load %arg15[%get3A_8, %get3A_9] {strides = array<i32>} : memref<8x16xi32, #tpu.memory_space<vmem>>, vector<1x16xi32>,
    %get3A_11 = vector.shape_cast %get3A_10 : vector<1x16xi32> to vector<16xi32>
    %get3A_12 = arith.constant 2 : i32
    %get3A_13 = arith.index_cast %get3A_12 : i32 to index
    %get3A_14 = arith.constant 0 : index
    %get3A_15 = tpu.vector_load %arg15[%get3A_13, %get3A_14] {strides = array<i32>} : memref<8x16xi32, #tpu.memory_space<vmem>>, vector<1x16xi32>,
    %get3A_16 = vector.shape_cast %get3A_15 : vector<1x16xi32> to vector<16xi32>
    %get3A_17 = arith.constant 3 : i32
    %get3A_18 = arith.index_cast %get3A_17 : i32 to index
    %get3A_19 = arith.constant 0 : index
    %get3A_20 = tpu.vector_load %arg15[%get3A_18, %get3A_19] {strides = array<i32>} : memref<8x16xi32, #tpu.memory_space<vmem>>, vector<1x16xi32>,
    %get3A_21 = vector.shape_cast %get3A_20 : vector<1x16xi32> to vector<16xi32>
    %get3A_22 = arith.constant 4 : i32
    %get3A_23 = arith.index_cast %get3A_22 : i32 to index
    %get3A_24 = arith.constant 0 : index
    %get3A_25 = tpu.vector_load %arg15[%get3A_23, %get3A_24] {strides = array<i32>} : memref<8x16xi32, #tpu.memory_space<vmem>>, vector<1x16xi32>,
    %get3A_26 = vector.shape_cast %get3A_25 : vector<1x16xi32> to vector<16xi32>
    %get3A_27 = arith.constant 5 : i32
    %get3A_28 = arith.index_cast %get3A_27 : i32 to index
    %get3A_29 = arith.constant 0 : index
    %get3A_30 = tpu.vector_load %arg15[%get3A_28, %get3A_29] {strides = array<i32>} : memref<8x16xi32, #tpu.memory_space<vmem>>, vector<1x16xi32>,
    %get3A_31 = vector.shape_cast %get3A_30 : vector<1x16xi32> to vector<16xi32>
    %get3A_32 = arith.constant 6 : i32
    %get3A_33 = arith.index_cast %get3A_32 : i32 to index
    %get3A_34 = arith.constant 0 : index
    %get3A_35 = tpu.vector_load %arg15[%get3A_33, %get3A_34] {strides = array<i32>} : memref<8x16xi32, #tpu.memory_space<vmem>>, vector<1x16xi32>,
    %get3A_36 = vector.shape_cast %get3A_35 : vector<1x16xi32> to vector<16xi32>
    %get3A_37 = arith.constant 7 : i32
    %get3A_38 = arith.index_cast %get3A_37 : i32 to index
    %get3A_39 = arith.constant 0 : index
    %get3A_40 = tpu.vector_load %arg15[%get3A_38, %get3A_39] {strides = array<i32>} : memref<8x16xi32, #tpu.memory_space<vmem>>, vector<1x16xi32>,
    %get3A_41 = vector.shape_cast %get3A_40 : vector<1x16xi32> to vector<16xi32>
    %scan3A = arith.constant 0 : i32
    %scan3A_42 = arith.constant 4 : i32
    %scan3A_43 = arith.addi %scan3A, %scan3A_42 : i32
    %scan3A_44 = arith.constant 1 : i32
    %scan3A_45:8 = scf.for %scan3A_47 = %scan3A to %scan3A_43 step %scan3A_44 iter_args(%scan3A_48 = %get3A_6, %scan3A_49 = %get3A_11, %scan3A_50 = %get3A_16, %scan3A_51 = %get3A_21, %scan3A_52 = %get3A_26, %scan3A_53 = %get3A_31, %scan3A_54 = %get3A_36, %scan3A_55 = %get3A_41) -> (vector<16xi32>, vector<16xi32>, vector<16xi32>, vector<16xi32>, vector<16xi32>, vector<16xi32>, vector<16xi32>, vector<16xi32>)  : i32 {
      %mul3A_56 = arith.constant 8192 : i32
      %mul3A_57 = arith.muli %scan3A_47, %mul3A_56 : i32
      %add3A_58 = arith.addi %mul3A_2, %mul3A_57 : i32
      %dma_start3A = tpu.memref_slice %arg2[%add3A_58] : memref<1048576xf32, #tpu.memory_space<hbm>> -> memref<8192xf32, #tpu.memory_space<hbm>>
      %dma_start3A_59 = tpu.memref_slice %arg2[%add3A_58] : memref<1048576xf32, #tpu.memory_space<hbm>> -> memref<8192xf32, #tpu.memory_space<hbm>>
      tpu.enqueue_dma source(%dma_start3A_59 : memref<8192xf32, #tpu.memory_space<hbm>>) target(%arg10 : memref<8192xf32, #tpu.memory_space<vmem>>) target_semaphore(%arg16 : memref<!tpu.dma_semaphore, #tpu.memory_space<semaphore_mem>>)
      %dma_start3A_60 = tpu.memref_slice %arg3[%add3A_58] : memref<1048576xf32, #tpu.memory_space<hbm>> -> memref<8192xf32, #tpu.memory_space<hbm>>
      %dma_start3A_61 = tpu.memref_slice %arg3[%add3A_58] : memref<1048576xf32, #tpu.memory_space<hbm>> -> memref<8192xf32, #tpu.memory_space<hbm>>
      tpu.enqueue_dma source(%dma_start3A_61 : memref<8192xf32, #tpu.memory_space<hbm>>) target(%arg11 : memref<8192xf32, #tpu.memory_space<vmem>>) target_semaphore(%arg17 : memref<!tpu.dma_semaphore, #tpu.memory_space<semaphore_mem>>)
      %dma_start3A_62 = tpu.memref_slice %arg4[%add3A_58] : memref<1048576xf32, #tpu.memory_space<hbm>> -> memref<8192xf32, #tpu.memory_space<hbm>>
      %dma_start3A_63 = tpu.memref_slice %arg4[%add3A_58] : memref<1048576xf32, #tpu.memory_space<hbm>> -> memref<8192xf32, #tpu.memory_space<hbm>>
      tpu.enqueue_dma source(%dma_start3A_63 : memref<8192xf32, #tpu.memory_space<hbm>>) target(%arg12 : memref<8192xf32, #tpu.memory_space<vmem>>) target_semaphore(%arg18 : memref<!tpu.dma_semaphore, #tpu.memory_space<semaphore_mem>>)
      %dma_wait3A = tpu.memref_slice %arg2[%add3A_58] : memref<1048576xf32, #tpu.memory_space<hbm>> -> memref<8192xf32, #tpu.memory_space<hbm>>
      %dma_wait3A_64 = tpu.memref_slice %arg2[%add3A_58] : memref<1048576xf32, #tpu.memory_space<hbm>> -> memref<8192xf32, #tpu.memory_space<hbm>>
      tpu.wait_dma2 semaphore(%arg16 : memref<!tpu.dma_semaphore, #tpu.memory_space<semaphore_mem>>) src(%dma_wait3A_64 : memref<8192xf32, #tpu.memory_space<hbm>>) dst(%arg10 : memref<8192xf32, #tpu.memory_space<vmem>>)
      %dma_wait3A_65 = tpu.memref_slice %arg3[%add3A_58] : memref<1048576xf32, #tpu.memory_space<hbm>> -> memref<8192xf32, #tpu.memory_space<hbm>>
      %dma_wait3A_66 = tpu.memref_slice %arg3[%add3A_58] : memref<1048576xf32, #tpu.memory_space<hbm>> -> memref<8192xf32, #tpu.memory_space<hbm>>
      tpu.wait_dma2 semaphore(%arg17 : memref<!tpu.dma_semaphore, #tpu.memory_space<semaphore_mem>>) src(%dma_wait3A_66 : memref<8192xf32, #tpu.memory_space<hbm>>) dst(%arg11 : memref<8192xf32, #tpu.memory_space<vmem>>)
      %dma_wait3A_67 = tpu.memref_slice %arg4[%add3A_58] : memref<1048576xf32, #tpu.memory_space<hbm>> -> memref<8192xf32, #tpu.memory_space<hbm>>
      %dma_wait3A_68 = tpu.memref_slice %arg4[%add3A_58] : memref<1048576xf32, #tpu.memory_space<hbm>> -> memref<8192xf32, #tpu.memory_space<hbm>>
      tpu.wait_dma2 semaphore(%arg18 : memref<!tpu.dma_semaphore, #tpu.memory_space<semaphore_mem>>) src(%dma_wait3A_68 : memref<8192xf32, #tpu.memory_space<hbm>>) dst(%arg12 : memref<8192xf32, #tpu.memory_space<vmem>>)
      %mul3A_69 = arith.constant 32768 : i32
      %mul3A_70 = arith.muli %add3A, %mul3A_69 : i32
      %mul3A_71 = arith.constant 2048 : i32
      %mul3A_72 = vector.broadcast %mul3A_71 : i32 to vector<16xi32>
      %mul3A_73 = arith.muli %iota3A, %mul3A_72 : vector<16xi32>
      %add3A_74 = vector.broadcast %mul3A_70 : i32 to vector<16xi32>
      %add3A_75 = arith.addi %add3A_74, %mul3A_73 : vector<16xi32>
      %mul3A_76 = arith.constant 512 : i32
      %mul3A_77 = arith.muli %scan3A_47, %mul3A_76 : i32
      %add3A_78 = vector.broadcast %mul3A_77 : i32 to vector<16xi32>
      %add3A_79 = arith.addi %add3A_75, %add3A_78 : vector<16xi32>
      %scan3A_80 = arith.constant 0 : i32
      %scan3A_81 = arith.constant 512 : i32
      %scan3A_82 = arith.addi %scan3A_80, %scan3A_81 : i32
      %scan3A_83 = arith.constant 1 : i32
      %scan3A_84:8 = scf.for %scan3A_102 = %scan3A_80 to %scan3A_82 step %scan3A_83 iter_args(%scan3A_103 = %scan3A_48, %scan3A_104 = %scan3A_49, %scan3A_105 = %scan3A_50, %scan3A_106 = %scan3A_51, %scan3A_107 = %scan3A_52, %scan3A_108 = %scan3A_53, %scan3A_109 = %scan3A_54, %scan3A_110 = %scan3A_55) -> (vector<16xi32>, vector<16xi32>, vector<16xi32>, vector<16xi32>, vector<16xi32>, vector<16xi32>, vector<16xi32>, vector<16xi32>)  : i32 {
        %mul3A_111 = arith.constant 16 : i32
        %mul3A_112 = arith.muli %scan3A_102, %mul3A_111 : i32
        %get3A_113 = arith.index_cast %mul3A_112 : i32 to index
        %get3A_114 = tpu.vector_load %arg10[%get3A_113] {strides = array<i32>} : memref<8192xf32, #tpu.memory_space<vmem>>, vector<16xf32>,
        %get3A_115 = vector.shape_cast %get3A_114 : vector<16xf32> to vector<16xf32>
        %get3A_116 = arith.index_cast %mul3A_112 : i32 to index
        %get3A_117 = tpu.vector_load %arg11[%get3A_116] {strides = array<i32>} : memref<8192xf32, #tpu.memory_space<vmem>>, vector<16xf32>,
        %get3A_118 = vector.shape_cast %get3A_117 : vector<16xf32> to vector<16xf32>
        %get3A_119 = arith.index_cast %mul3A_112 : i32 to index
        %get3A_120 = tpu.vector_load %arg12[%get3A_119] {strides = array<i32>} : memref<8192xf32, #tpu.memory_space<vmem>>, vector<16xf32>,
        %get3A_121 = vector.shape_cast %get3A_120 : vector<16xf32> to vector<16xf32>
        %add3A_122 = arith.constant 1.000000e+00 : f32
        %add3A_123 = vector.broadcast %add3A_122 : f32 to vector<16xf32>
        %add3A_124 = arith.addf %get3A_115, %add3A_123 : vector<16xf32>
        %div3A = arith.constant 2.000000e+00 : f32
        %div3A_125 = vector.broadcast %div3A : f32 to vector<16xf32>
        %div3A_126 = arith.divf %add3A_124, %div3A_125 : vector<16xf32>
        %jit3A = arith.constant 0.000000e+00 : f32
        %jit3A_127 = arith.constant 9.900000e-01 : f32
        %max3A = vector.broadcast %jit3A : f32 to vector<16xf32>
        %max3A_128 = arith.maximumf %max3A, %div3A_126 : vector<16xf32>
        %min3A = vector.broadcast %jit3A_127 : f32 to vector<16xf32>
        %min3A_129 = arith.minimumf %min3A, %max3A_128 : vector<16xf32>
        %mul3A_130 = arith.constant 2.000000e+00 : f32
        %mul3A_131 = vector.broadcast %mul3A_130 : f32 to vector<16xf32>
        %mul3A_132 = arith.mulf %min3A_129, %mul3A_131 : vector<16xf32>
        %convert_element_type3A = arith.fptosi %mul3A_132 : vector<16xf32> to vector<16xi32>
        %add3A_133 = arith.constant 1.000000e+00 : f32
        %add3A_134 = vector.broadcast %add3A_133 : f32 to vector<16xf32>
        %add3A_135 = arith.addf %get3A_118, %add3A_134 : vector<16xf32>
        %div3A_136 = arith.constant 2.000000e+00 : f32
        %div3A_137 = vector.broadcast %div3A_136 : f32 to vector<16xf32>
        %div3A_138 = arith.divf %add3A_135, %div3A_137 : vector<16xf32>
        %jit3A_139 = arith.constant 0.000000e+00 : f32
        %jit3A_140 = arith.constant 9.900000e-01 : f32
        %max3A_141 = vector.broadcast %jit3A_139 : f32 to vector<16xf32>
        %max3A_142 = arith.maximumf %max3A_141, %div3A_138 : vector<16xf32>
        %min3A_143 = vector.broadcast %jit3A_140 : f32 to vector<16xf32>
        %min3A_144 = arith.minimumf %min3A_143, %max3A_142 : vector<16xf32>
        %mul3A_145 = arith.constant 2.000000e+00 : f32
        %mul3A_146 = vector.broadcast %mul3A_145 : f32 to vector<16xf32>
        %mul3A_147 = arith.mulf %min3A_144, %mul3A_146 : vector<16xf32>
        %convert_element_type3A_148 = arith.fptosi %mul3A_147 : vector<16xf32> to vector<16xi32>
        %add3A_149 = arith.constant 1.000000e+00 : f32
        %add3A_150 = vector.broadcast %add3A_149 : f32 to vector<16xf32>
        %add3A_151 = arith.addf %get3A_121, %add3A_150 : vector<16xf32>
        %div3A_152 = arith.constant 2.000000e+00 : f32
        %div3A_153 = vector.broadcast %div3A_152 : f32 to vector<16xf32>
        %div3A_154 = arith.divf %add3A_151, %div3A_153 : vector<16xf32>
        %jit3A_155 = arith.constant 0.000000e+00 : f32
        %jit3A_156 = arith.constant 9.900000e-01 : f32
        %max3A_157 = vector.broadcast %jit3A_155 : f32 to vector<16xf32>
        %max3A_158 = arith.maximumf %max3A_157, %div3A_154 : vector<16xf32>
        %min3A_159 = vector.broadcast %jit3A_156 : f32 to vector<16xf32>
        %min3A_160 = arith.minimumf %min3A_159, %max3A_158 : vector<16xf32>
        %mul3A_161 = arith.constant 2.000000e+00 : f32
        %mul3A_162 = vector.broadcast %mul3A_161 : f32 to vector<16xf32>
        %mul3A_163 = arith.mulf %min3A_160, %mul3A_162 : vector<16xf32>
        %convert_element_type3A_164 = arith.fptosi %mul3A_163 : vector<16xf32> to vector<16xi32>
        %mul3A_165 = arith.constant 2 : i32
        %mul3A_166 = vector.broadcast %mul3A_165 : i32 to vector<16xi32>
        %mul3A_167 = arith.muli %mul3A_166, %convert_element_type3A_148 : vector<16xi32>
        %add3A_168 = arith.addi %convert_element_type3A, %mul3A_167 : vector<16xi32>
        %mul3A_169 = arith.constant 4 : i32
        %mul3A_170 = vector.broadcast %mul3A_169 : i32 to vector<16xi32>
        %mul3A_171 = arith.muli %mul3A_170, %convert_element_type3A_164 : vector<16xi32>
        %add3A_172 = arith.addi %add3A_168, %mul3A_171 : vector<16xi32>
        %and3A = arith.constant 1 : i32
        %and3A_173 = vector.broadcast %and3A : i32 to vector<16xi32>
        %and3A_174 = arith.andi %add3A_172, %and3A_173 : vector<16xi32>
        %eq3A = arith.constant 1 : i32
        %eq3A_175 = vector.broadcast %eq3A : i32 to vector<16xi32>
        %eq3A_176 = arith.cmpi eq, %and3A_174, %eq3A_175 : vector<16xi32>
        %and3A_177 = arith.constant 2 : i32
        %and3A_178 = vector.broadcast %and3A_177 : i32 to vector<16xi32>
        %and3A_179 = arith.andi %add3A_172, %and3A_178 : vector<16xi32>
        %eq3A_180 = arith.constant 2 : i32
        %eq3A_181 = vector.broadcast %eq3A_180 : i32 to vector<16xi32>
        %eq3A_182 = arith.cmpi eq, %and3A_179, %eq3A_181 : vector<16xi32>
        %and3A_183 = arith.constant 4 : i32
        %and3A_184 = vector.broadcast %and3A_183 : i32 to vector<16xi32>
        %and3A_185 = arith.andi %add3A_172, %and3A_184 : vector<16xi32>
        %eq3A_186 = arith.constant 4 : i32
        %eq3A_187 = vector.broadcast %eq3A_186 : i32 to vector<16xi32>
        %eq3A_188 = arith.cmpi eq, %and3A_185, %eq3A_187 : vector<16xi32>
        %select_n3A = arith.select %eq3A_176, %scan3A_104, %scan3A_103 : vector<16xi1>, vector<16xi32>
        %select_n3A_189 = arith.select %eq3A_176, %scan3A_106, %scan3A_105 : vector<16xi1>, vector<16xi32>
        %select_n3A_190 = arith.select %eq3A_176, %scan3A_108, %scan3A_107 : vector<16xi1>, vector<16xi32>
        %select_n3A_191 = arith.select %eq3A_176, %scan3A_110, %scan3A_109 : vector<16xi1>, vector<16xi32>
        %select_n3A_192 = arith.select %eq3A_182, %select_n3A_189, %select_n3A : vector<16xi1>, vector<16xi32>
        %select_n3A_193 = arith.select %eq3A_182, %select_n3A_191, %select_n3A_190 : vector<16xi1>, vector<16xi32>
        %select_n3A_194 = arith.select %eq3A_188, %select_n3A_193, %select_n3A_192 : vector<16xi1>, vector<16xi32>
        %swap3A = arith.index_cast %mul3A_112 : i32 to index
        %swap3A_195 = tpu.vector_load %arg14[%swap3A] {strides = array<i32>} : memref<8192xi32, #tpu.memory_space<vmem>>, vector<16xi32>,
        %swap3A_196 = vector.shape_cast %swap3A_195 : vector<16xi32> to vector<16xi32>
        %swap3A_197 = vector.shape_cast %select_n3A_194 : vector<16xi32> to vector<16xi32>
        tpu.vector_store %arg14[%swap3A], %swap3A_197 {strides = array<i32>} : memref<8192xi32, #tpu.memory_space<vmem>>, vector<16xi32>,
        %add3A_198 = vector.broadcast %scan3A_102 : i32 to vector<16xi32>
        %add3A_199 = arith.addi %add3A_79, %add3A_198 : vector<16xi32>
        %swap3A_200 = arith.index_cast %mul3A_112 : i32 to index
        %swap3A_201 = tpu.vector_load %arg13[%swap3A_200] {strides = array<i32>} : memref<8192xi32, #tpu.memory_space<vmem>>, vector<16xi32>,
        %swap3A_202 = vector.shape_cast %swap3A_201 : vector<16xi32> to vector<16xi32>
        %swap3A_203 = vector.shape_cast %add3A_199 : vector<16xi32> to vector<16xi32>
        tpu.vector_store %arg13[%swap3A_200], %swap3A_203 {strides = array<i32>} : memref<8192xi32, #tpu.memory_space<vmem>>, vector<16xi32>,
        %eq3A_204 = arith.constant 0 : i32
        %eq3A_205 = vector.broadcast %eq3A_204 : i32 to vector<16xi32>
        %eq3A_206 = arith.cmpi eq, %add3A_172, %eq3A_205 : vector<16xi32>
        %jit3A_207 = arith.constant 1 : i32
        %jit3A_208 = arith.constant 0 : i32
        %broadcast_in_dim3A = vector.broadcast %jit3A_207 : i32 to vector<16xi32>
        %broadcast_in_dim3A_209 = vector.broadcast %jit3A_208 : i32 to vector<16xi32>
        %select_n3A_210 = arith.select %eq3A_206, %broadcast_in_dim3A, %broadcast_in_dim3A_209 : vector<16xi1>, vector<16xi32>
        %add3A_211 = arith.addi %scan3A_103, %select_n3A_210 : vector<16xi32>
        %eq3A_212 = arith.constant 1 : i32
        %eq3A_213 = vector.broadcast %eq3A_212 : i32 to vector<16xi32>
        %eq3A_214 = arith.cmpi eq, %add3A_172, %eq3A_213 : vector<16xi32>
        %jit3A_215 = arith.constant 1 : i32
        %jit3A_216 = arith.constant 0 : i32
        %broadcast_in_dim3A_217 = vector.broadcast %jit3A_215 : i32 to vector<16xi32>
        %broadcast_in_dim3A_218 = vector.broadcast %jit3A_216 : i32 to vector<16xi32>
        %select_n3A_219 = arith.select %eq3A_214, %broadcast_in_dim3A_217, %broadcast_in_dim3A_218 : vector<16xi1>, vector<16xi32>
        %add3A_220 = arith.addi %scan3A_104, %select_n3A_219 : vector<16xi32>
        %eq3A_221 = arith.constant 2 : i32
        %eq3A_222 = vector.broadcast %eq3A_221 : i32 to vector<16xi32>
        %eq3A_223 = arith.cmpi eq, %add3A_172, %eq3A_222 : vector<16xi32>
        %jit3A_224 = arith.constant 1 : i32
        %jit3A_225 = arith.constant 0 : i32
        %broadcast_in_dim3A_226 = vector.broadcast %jit3A_224 : i32 to vector<16xi32>
        %broadcast_in_dim3A_227 = vector.broadcast %jit3A_225 : i32 to vector<16xi32>
        %select_n3A_228 = arith.select %eq3A_223, %broadcast_in_dim3A_226, %broadcast_in_dim3A_227 : vector<16xi1>, vector<16xi32>
        %add3A_229 = arith.addi %scan3A_105, %select_n3A_228 : vector<16xi32>
        %eq3A_230 = arith.constant 3 : i32
        %eq3A_231 = vector.broadcast %eq3A_230 : i32 to vector<16xi32>
        %eq3A_232 = arith.cmpi eq, %add3A_172, %eq3A_231 : vector<16xi32>
        %jit3A_233 = arith.constant 1 : i32
        %jit3A_234 = arith.constant 0 : i32
        %broadcast_in_dim3A_235 = vector.broadcast %jit3A_233 : i32 to vector<16xi32>
        %broadcast_in_dim3A_236 = vector.broadcast %jit3A_234 : i32 to vector<16xi32>
        %select_n3A_237 = arith.select %eq3A_232, %broadcast_in_dim3A_235, %broadcast_in_dim3A_236 : vector<16xi1>, vector<16xi32>
        %add3A_238 = arith.addi %scan3A_106, %select_n3A_237 : vector<16xi32>
        %eq3A_239 = arith.constant 4 : i32
        %eq3A_240 = vector.broadcast %eq3A_239 : i32 to vector<16xi32>
        %eq3A_241 = arith.cmpi eq, %add3A_172, %eq3A_240 : vector<16xi32>
        %jit3A_242 = arith.constant 1 : i32
        %jit3A_243 = arith.constant 0 : i32
        %broadcast_in_dim3A_244 = vector.broadcast %jit3A_242 : i32 to vector<16xi32>
        %broadcast_in_dim3A_245 = vector.broadcast %jit3A_243 : i32 to vector<16xi32>
        %select_n3A_246 = arith.select %eq3A_241, %broadcast_in_dim3A_244, %broadcast_in_dim3A_245 : vector<16xi1>, vector<16xi32>
        %add3A_247 = arith.addi %scan3A_107, %select_n3A_246 : vector<16xi32>
        %eq3A_248 = arith.constant 5 : i32
        %eq3A_249 = vector.broadcast %eq3A_248 : i32 to vector<16xi32>
        %eq3A_250 = arith.cmpi eq, %add3A_172, %eq3A_249 : vector<16xi32>
        %jit3A_251 = arith.constant 1 : i32
        %jit3A_252 = arith.constant 0 : i32
        %broadcast_in_dim3A_253 = vector.broadcast %jit3A_251 : i32 to vector<16xi32>
        %broadcast_in_dim3A_254 = vector.broadcast %jit3A_252 : i32 to vector<16xi32>
        %select_n3A_255 = arith.select %eq3A_250, %broadcast_in_dim3A_253, %broadcast_in_dim3A_254 : vector<16xi1>, vector<16xi32>
        %add3A_256 = arith.addi %scan3A_108, %select_n3A_255 : vector<16xi32>
        %eq3A_257 = arith.constant 6 : i32
        %eq3A_258 = vector.broadcast %eq3A_257 : i32 to vector<16xi32>
        %eq3A_259 = arith.cmpi eq, %add3A_172, %eq3A_258 : vector<16xi32>
        %jit3A_260 = arith.constant 1 : i32
        %jit3A_261 = arith.constant 0 : i32
        %broadcast_in_dim3A_262 = vector.broadcast %jit3A_260 : i32 to vector<16xi32>
        %broadcast_in_dim3A_263 = vector.broadcast %jit3A_261 : i32 to vector<16xi32>
        %select_n3A_264 = arith.select %eq3A_259, %broadcast_in_dim3A_262, %broadcast_in_dim3A_263 : vector<16xi1>, vector<16xi32>
        %add3A_265 = arith.addi %scan3A_109, %select_n3A_264 : vector<16xi32>
        %eq3A_266 = arith.constant 7 : i32
        %eq3A_267 = vector.broadcast %eq3A_266 : i32 to vector<16xi32>
        %eq3A_268 = arith.cmpi eq, %add3A_172, %eq3A_267 : vector<16xi32>
        %jit3A_269 = arith.constant 1 : i32
        %jit3A_270 = arith.constant 0 : i32
        %broadcast_in_dim3A_271 = vector.broadcast %jit3A_269 : i32 to vector<16xi32>
        %broadcast_in_dim3A_272 = vector.broadcast %jit3A_270 : i32 to vector<16xi32>
        %select_n3A_273 = arith.select %eq3A_268, %broadcast_in_dim3A_271, %broadcast_in_dim3A_272 : vector<16xi1>, vector<16xi32>
        %add3A_274 = arith.addi %scan3A_110, %select_n3A_273 : vector<16xi32>
        scf.yield %add3A_211, %add3A_220, %add3A_229, %add3A_238, %add3A_247, %add3A_256, %add3A_265, %add3A_274 : vector<16xi32>, vector<16xi32>, vector<16xi32>, vector<16xi32>, vector<16xi32>, vector<16xi32>, vector<16xi32>, vector<16xi32>
      }
      %scan3A_85 = arith.constant 512 : i32
      %dma_start3A_86 = arith.constant 0 : i32
      %dma_start3A_87 = tpu.memref_slice %arg7[%dma_start3A_86] : memref<1056768xf32, #tpu.memory_space<hbm>> -> memref<1056768xf32, #tpu.memory_space<hbm>>
      tpu.enqueue_indirect_dma source(%arg10 : memref<8192xf32, #tpu.memory_space<vmem>>) target(%dma_start3A_87 : memref<1056768xf32, #tpu.memory_space<hbm>>) offsets(%arg14 : memref<8192xi32, #tpu.memory_space<vmem>>) semaphore(%arg19 : memref<!tpu.dma_semaphore, #tpu.memory_space<semaphore_mem>>)
      %dma_start3A_88 = arith.constant 0 : i32
      %dma_start3A_89 = tpu.memref_slice %arg8[%dma_start3A_88] : memref<1056768xf32, #tpu.memory_space<hbm>> -> memref<1056768xf32, #tpu.memory_space<hbm>>
      tpu.enqueue_indirect_dma source(%arg11 : memref<8192xf32, #tpu.memory_space<vmem>>) target(%dma_start3A_89 : memref<1056768xf32, #tpu.memory_space<hbm>>) offsets(%arg14 : memref<8192xi32, #tpu.memory_space<vmem>>) semaphore(%arg20 : memref<!tpu.dma_semaphore, #tpu.memory_space<semaphore_mem>>)
      %dma_start3A_90 = arith.constant 0 : i32
      %dma_start3A_91 = tpu.memref_slice %arg9[%dma_start3A_90] : memref<1056768xf32, #tpu.memory_space<hbm>> -> memref<1056768xf32, #tpu.memory_space<hbm>>
      tpu.enqueue_indirect_dma source(%arg12 : memref<8192xf32, #tpu.memory_space<vmem>>) target(%dma_start3A_91 : memref<1056768xf32, #tpu.memory_space<hbm>>) offsets(%arg14 : memref<8192xi32, #tpu.memory_space<vmem>>) semaphore(%arg21 : memref<!tpu.dma_semaphore, #tpu.memory_space<semaphore_mem>>)
      %dma_start3A_92 = arith.constant 0 : i32
      %dma_start3A_93 = tpu.memref_slice %arg6[%dma_start3A_92] : memref<1056768xi32, #tpu.memory_space<hbm>> -> memref<1056768xi32, #tpu.memory_space<hbm>>
      tpu.enqueue_indirect_dma source(%arg13 : memref<8192xi32, #tpu.memory_space<vmem>>) target(%dma_start3A_93 : memref<1056768xi32, #tpu.memory_space<hbm>>) offsets(%arg14 : memref<8192xi32, #tpu.memory_space<vmem>>) semaphore(%arg22 : memref<!tpu.dma_semaphore, #tpu.memory_space<semaphore_mem>>)
      %dma_wait3A_94 = arith.constant 0 : i32
      %dma_wait3A_95 = tpu.memref_slice %arg7[%dma_wait3A_94] : memref<1056768xf32, #tpu.memory_space<hbm>> -> memref<1056768xf32, #tpu.memory_space<hbm>>
      tpu.wait_indirect_dma semaphore(%arg19 : memref<!tpu.dma_semaphore, #tpu.memory_space<semaphore_mem>>) src(%arg10 : memref<8192xf32, #tpu.memory_space<vmem>>) dst(%dma_wait3A_95 : memref<1056768xf32, #tpu.memory_space<hbm>>)
      %dma_wait3A_96 = arith.constant 0 : i32
      %dma_wait3A_97 = tpu.memref_slice %arg8[%dma_wait3A_96] : memref<1056768xf32, #tpu.memory_space<hbm>> -> memref<1056768xf32, #tpu.memory_space<hbm>>
      tpu.wait_indirect_dma semaphore(%arg20 : memref<!tpu.dma_semaphore, #tpu.memory_space<semaphore_mem>>) src(%arg11 : memref<8192xf32, #tpu.memory_space<vmem>>) dst(%dma_wait3A_97 : memref<1056768xf32, #tpu.memory_space<hbm>>)
      %dma_wait3A_98 = arith.constant 0 : i32
      %dma_wait3A_99 = tpu.memref_slice %arg9[%dma_wait3A_98] : memref<1056768xf32, #tpu.memory_space<hbm>> -> memref<1056768xf32, #tpu.memory_space<hbm>>
      tpu.wait_indirect_dma semaphore(%arg21 : memref<!tpu.dma_semaphore, #tpu.memory_space<semaphore_mem>>) src(%arg12 : memref<8192xf32, #tpu.memory_space<vmem>>) dst(%dma_wait3A_99 : memref<1056768xf32, #tpu.memory_space<hbm>>)
      %dma_wait3A_100 = arith.constant 0 : i32
      %dma_wait3A_101 = tpu.memref_slice %arg6[%dma_wait3A_100] : memref<1056768xi32, #tpu.memory_space<hbm>> -> memref<1056768xi32, #tpu.memory_space<hbm>>
      tpu.wait_indirect_dma semaphore(%arg22 : memref<!tpu.dma_semaphore, #tpu.memory_space<semaphore_mem>>) src(%arg13 : memref<8192xi32, #tpu.memory_space<vmem>>) dst(%dma_wait3A_101 : memref<1056768xi32, #tpu.memory_space<hbm>>)
      scf.yield %scan3A_84#0, %scan3A_84#1, %scan3A_84#2, %scan3A_84#3, %scan3A_84#4, %scan3A_84#5, %scan3A_84#6, %scan3A_84#7 : vector<16xi32>, vector<16xi32>, vector<16xi32>, vector<16xi32>, vector<16xi32>, vector<16xi32>, vector<16xi32>, vector<16xi32>
    }
    %scan3A_46 = arith.constant 4 : i32
    return
  }
}

module attributes {stable_mosaic.version = 14 : i64} {
  func.func @_tc_body(%arg0: i32, %arg1: memref<1x1x16xi32, #tpu.memory_space<vmem>>, %arg2: memref<1x1x1024xf32, #tpu.memory_space<vmem>>, %arg3: memref<1x1x1024xf32, #tpu.memory_space<vmem>>, %arg4: memref<1x1x1024xf32, #tpu.memory_space<vmem>>, %arg5: memref<8x64x8xf32, #tpu.memory_space<vmem>>, %arg6: memref<8x64x64xbf16, #tpu.memory_space<vmem>>, %arg7: memref<1x1x1024xf32, #tpu.memory_space<vmem>>) attributes {dimension_semantics = [#tpu.dimension_semantics<arbitrary>], iteration_bounds = array<i64: 1032>, scalar_prefetch = 0 : i64, scratch_operands = 0 : i64, tpu.core_type = #tpu.core_type<tc>, window_params = [{transform_indices = @transform_0, window_bounds = array<i64: 1, 1, 16>}, {transform_indices = @transform_1, window_bounds = array<i64: 1, 1, 1024>}, {transform_indices = @transform_2, window_bounds = array<i64: 1, 1, 1024>}, {transform_indices = @transform_3, window_bounds = array<i64: 1, 1, 1024>}, {pipeline_mode = #tpu.pipeline_mode<synchronous>, transform_indices = @transform_4, window_bounds = array<i64: 8, 64, 8>}, {pipeline_mode = #tpu.pipeline_mode<synchronous>, transform_indices = @transform_5, window_bounds = array<i64: 8, 64, 64>}, {transform_indices = @transform_6, window_bounds = array<i64: 1, 1, 1024>}]} {
    %get3A = arith.constant 0 : index
    %get3A_0 = arith.constant 0 : index
    %get3A_1 = arith.constant 0 : index
    %get3A_2 = vector.load %arg1[%get3A, %get3A_0, %get3A_1] : memref<1x1x16xi32, #tpu.memory_space<vmem>>, vector<1x1x1xi32>
    %get3A_3 = vector.extract %get3A_2[0, 0, 0] : i32 from vector<1x1x1xi32>
    %get3A_4 = arith.index_cast %get3A_3 : i32 to index
    %get3A_5 = arith.constant 0 : index
    %get3A_6 = arith.constant 0 : index
    %get3A_7 = vector.load %arg5[%get3A_4, %get3A_5, %get3A_6] : memref<8x64x8xf32, #tpu.memory_space<vmem>>, vector<1x64x8xf32>
    %get3A_8 = vector.shape_cast %get3A_7 : vector<1x64x8xf32> to vector<64x8xf32>
    %get3A_9 = arith.constant 0 : index
    %get3A_10 = arith.constant 0 : index
    %get3A_11 = arith.constant 0 : index
    %get3A_12 = vector.load %arg2[%get3A_9, %get3A_10, %get3A_11] : memref<1x1x1024xf32, #tpu.memory_space<vmem>>, vector<1x1x1024xf32>
    %get3A_13 = vector.shape_cast %get3A_12 : vector<1x1x1024xf32> to vector<1x1024xf32>
    %get3A_14 = arith.constant 0 : index
    %get3A_15 = arith.constant 0 : index
    %get3A_16 = arith.constant 0 : index
    %get3A_17 = vector.load %arg3[%get3A_14, %get3A_15, %get3A_16] : memref<1x1x1024xf32, #tpu.memory_space<vmem>>, vector<1x1x1024xf32>
    %get3A_18 = vector.shape_cast %get3A_17 : vector<1x1x1024xf32> to vector<1x1024xf32>
    %get3A_19 = arith.constant 0 : index
    %get3A_20 = arith.constant 0 : index
    %get3A_21 = arith.constant 0 : index
    %get3A_22 = vector.load %arg4[%get3A_19, %get3A_20, %get3A_21] : memref<1x1x1024xf32, #tpu.memory_space<vmem>>, vector<1x1x1024xf32>
    %get3A_23 = vector.shape_cast %get3A_22 : vector<1x1x1024xf32> to vector<1x1024xf32>
    %slice3A = vector.extract_strided_slice %get3A_8 {offsets = [0, 0], sizes = [64, 1], strides = [1, 1]} : vector<64x8xf32> to vector<64x1xf32>
    %mul3A = vector.broadcast %slice3A : vector<64x1xf32> to vector<64x1024xf32>
    %mul3A_24 = vector.broadcast %get3A_13 : vector<1x1024xf32> to vector<64x1024xf32>
    %mul3A_25 = arith.mulf %mul3A, %mul3A_24 : vector<64x1024xf32>
    %slice3A_26 = vector.extract_strided_slice %get3A_8 {offsets = [0, 1], sizes = [64, 1], strides = [1, 1]} : vector<64x8xf32> to vector<64x1xf32>
    %mul3A_27 = vector.broadcast %slice3A_26 : vector<64x1xf32> to vector<64x1024xf32>
    %mul3A_28 = vector.broadcast %get3A_18 : vector<1x1024xf32> to vector<64x1024xf32>
    %mul3A_29 = arith.mulf %mul3A_27, %mul3A_28 : vector<64x1024xf32>
    %add3A = arith.addf %mul3A_25, %mul3A_29 : vector<64x1024xf32>
    %slice3A_30 = vector.extract_strided_slice %get3A_8 {offsets = [0, 2], sizes = [64, 1], strides = [1, 1]} : vector<64x8xf32> to vector<64x1xf32>
    %mul3A_31 = vector.broadcast %slice3A_30 : vector<64x1xf32> to vector<64x1024xf32>
    %mul3A_32 = vector.broadcast %get3A_23 : vector<1x1024xf32> to vector<64x1024xf32>
    %mul3A_33 = arith.mulf %mul3A_31, %mul3A_32 : vector<64x1024xf32>
    %add3A_34 = arith.addf %add3A, %mul3A_33 : vector<64x1024xf32>
    %slice3A_35 = vector.extract_strided_slice %get3A_8 {offsets = [0, 3], sizes = [64, 1], strides = [1, 1]} : vector<64x8xf32> to vector<64x1xf32>
    %add3A_36 = vector.broadcast %slice3A_35 : vector<64x1xf32> to vector<64x1024xf32>
    %add3A_37 = arith.addf %add3A_34, %add3A_36 : vector<64x1024xf32>
    %max3A = arith.constant 0.000000e+00 : f32
    %max3A_38 = vector.broadcast %max3A : f32 to vector<64x1024xf32>
    %max3A_39 = arith.maximumf %add3A_37, %max3A_38 : vector<64x1024xf32>
    %get3A_40 = arith.index_cast %get3A_3 : i32 to index
    %get3A_41 = arith.constant 0 : index
    %get3A_42 = arith.constant 0 : index
    %get3A_43 = vector.load %arg6[%get3A_40, %get3A_41, %get3A_42] : memref<8x64x64xbf16, #tpu.memory_space<vmem>>, vector<1x64x64xbf16>
    %get3A_44 = vector.shape_cast %get3A_43 : vector<1x64x64xbf16> to vector<64x64xbf16>
    %convert_element_type3A = arith.truncf %max3A_39 : vector<64x1024xf32> to vector<64x1024xbf16>
    %dot_general3A = arith.constant dense<0.000000e+00> : vector<64x1024xf32>
    %dot_general3A_45 = tpu.matmul %get3A_44, %convert_element_type3A, %dot_general3A {dimension_numbers = #tpu.dot_dimension_numbers<[1], [0], [0], [1], [0, 0, 1, 1], [], []>, transpose_lhs_hint = false} : vector<64x64xbf16>, vector<64x1024xbf16>, vector<64x1024xf32> -> vector<64x1024xf32>
    %slice3A_46 = vector.extract_strided_slice %get3A_8 {offsets = [0, 4], sizes = [64, 1], strides = [1, 1]} : vector<64x8xf32> to vector<64x1xf32>
    %add3A_47 = vector.broadcast %slice3A_46 : vector<64x1xf32> to vector<64x1024xf32>
    %add3A_48 = arith.addf %dot_general3A_45, %add3A_47 : vector<64x1024xf32>
    %max3A_49 = arith.constant 0.000000e+00 : f32
    %max3A_50 = vector.broadcast %max3A_49 : f32 to vector<64x1024xf32>
    %max3A_51 = arith.maximumf %add3A_48, %max3A_50 : vector<64x1024xf32>
    %slice3A_52 = vector.extract_strided_slice %get3A_8 {offsets = [0, 5], sizes = [64, 1], strides = [1, 1]} : vector<64x8xf32> to vector<64x1xf32>
    %mul3A_53 = vector.broadcast %slice3A_52 : vector<64x1xf32> to vector<64x1024xf32>
    %mul3A_54 = arith.mulf %max3A_51, %mul3A_53 : vector<64x1024xf32>
    %reduce_sum3A = arith.constant dense<0.000000e+00> : vector<1024xf32>
    %reduce_sum3A_55 = vector.multi_reduction <add>, %mul3A_54, %reduce_sum3A [0] : vector<64x1024xf32> to vector<1024xf32>
    %broadcast_in_dim3A = vector.shape_cast %reduce_sum3A_55 : vector<1024xf32> to vector<1x1024xf32>
    %slice3A_56 = vector.extract_strided_slice %get3A_8 {offsets = [0, 6], sizes = [1, 1], strides = [1, 1]} : vector<64x8xf32> to vector<1x1xf32>
    %add3A_57 = vector.broadcast %slice3A_56 : vector<1x1xf32> to vector<1x1024xf32>
    %add3A_58 = arith.addf %broadcast_in_dim3A, %add3A_57 : vector<1x1024xf32>
    %broadcast_in_dim3A_59 = vector.shape_cast %add3A_58 : vector<1x1024xf32> to vector<1x1x1024xf32>
    %swap3A = arith.constant 0 : index
    %swap3A_60 = arith.constant 0 : index
    %swap3A_61 = arith.constant 0 : index
    %swap3A_62 = vector.load %arg7[%swap3A, %swap3A_60, %swap3A_61] : memref<1x1x1024xf32, #tpu.memory_space<vmem>>, vector<1x1x1024xf32>
    tpu.vector_store %arg7[%swap3A, %swap3A_60, %swap3A_61], %broadcast_in_dim3A_59 {strides = array<i32>} : memref<1x1x1024xf32, #tpu.memory_space<vmem>>, vector<1x1x1024xf32>,
    return
  }
  func.func @transform_0(%arg0: i32) -> (i32, i32, i32) {
    %c0_i32 = arith.constant 0 : i32
    %c0_i32_0 = arith.constant 0 : i32
    %c0_i32_1 = arith.constant 0 : i32
    return %arg0, %c0_i32, %c0_i32_0 : i32, i32, i32
  }
  func.func @transform_1(%arg0: i32) -> (i32, i32, i32) {
    %c0_i32 = arith.constant 0 : i32
    %c0_i32_0 = arith.constant 0 : i32
    %c0_i32_1 = arith.constant 0 : i32
    return %arg0, %c0_i32, %c0_i32_0 : i32, i32, i32
  }
  func.func @transform_2(%arg0: i32) -> (i32, i32, i32) {
    %c0_i32 = arith.constant 0 : i32
    %c0_i32_0 = arith.constant 0 : i32
    %c0_i32_1 = arith.constant 0 : i32
    return %arg0, %c0_i32, %c0_i32_0 : i32, i32, i32
  }
  func.func @transform_3(%arg0: i32) -> (i32, i32, i32) {
    %c0_i32 = arith.constant 0 : i32
    %c0_i32_0 = arith.constant 0 : i32
    %c0_i32_1 = arith.constant 0 : i32
    return %arg0, %c0_i32, %c0_i32_0 : i32, i32, i32
  }
  func.func @transform_4(%arg0: i32) -> (i32, i32, i32) {
    %c0_i32 = arith.constant 0 : i32
    %c0_i32_0 = arith.constant 0 : i32
    %c0_i32_1 = arith.constant 0 : i32
    %c0_i32_2 = arith.constant 0 : i32
    return %c0_i32, %c0_i32_0, %c0_i32_1 : i32, i32, i32
  }
  func.func @transform_5(%arg0: i32) -> (i32, i32, i32) {
    %c0_i32 = arith.constant 0 : i32
    %c0_i32_0 = arith.constant 0 : i32
    %c0_i32_1 = arith.constant 0 : i32
    %c0_i32_2 = arith.constant 0 : i32
    return %c0_i32, %c0_i32_0, %c0_i32_1 : i32, i32, i32
  }
  func.func @transform_6(%arg0: i32) -> (i32, i32, i32) {
    %c0_i32 = arith.constant 0 : i32
    %c0_i32_0 = arith.constant 0 : i32
    %c0_i32_1 = arith.constant 0 : i32
    return %arg0, %c0_i32, %c0_i32_0 : i32, i32, i32
  }
}

</mosaic_0001>

<sc_bundles>
// kernel: kernel.12.cloned.1.call-start
scs
__scs_entry_jumppad:
0x0: {  	(pc) =	sbr.rel $0x88, $3  }
0x1: {  	(tag) =	ssettag $0x0;
	lr =	simm.s32 $0x1  }
0x2: {  	[smem:$0x3F98] =	sst lr;
	_ =	strace $0xD0000000  }
0x3: {  	_ = 	snop  }
0x4: {  	_ = 	snop  }
0x5: {  	_ = 	snop  }
0x6: {  	_ = 	snop  }
0x7: {  	_ = 	snop  }
__scs_overlays_trampoline_lowered:
0x8: {  	[smem:$0x3FA7] =	sst s0  }
0x9: {  	[smem:$0x3FA8] =	sst s1  }
0xa: {  	[smem:$0x3FA9] =	sst s2  }
0xb: {  	[smem:$0x3FAA] =	sst s3  }
0xc: {  	[smem:$0x3FAB] =	sst s4  }
0xd: {  	[smem:$0x3FAC] =	sst s5  }
0xe: {  	[smem:$0x3FAD] =	sst s6  }
0xf: {  	[smem:$0x3FAE] =	sst s7  }
0x10: {  	[smem:$0x3FAF] =	sst s8  }
0x11: {  	[smem:$0x3FB0] =	sst s9;
	s0 =	simm.s32 @!p0 $0x0  }
0x12: {  	s1 =	sld [smem:$0x3F96];
	s0 =	simm.s32 @p0 $0x1  }
0x13: {  	[smem:$0x3FB1] =	sst s0;
	s0 =	simm.s32 @!p1 $0x0  }
0x14: {  	s2 =	sld [smem:$0x3F95];
	s0 =	simm.s32 @p1 $0x1  }
0x15: {  	[smem:$0x3FB2] =	sst s0;
	s0 =	simm.s32 @!p2 $0x0  }
0x16: {  	s3 =	sld [smem:$0x3FDB];
	s0 =	simm.s32 @p2 $0x1  }
0x17: {  	s4 =	simm.s32 $0x1BF5;
	[smem:$0x3FB4] =	sst s0  }
0x18: {  	s0 =	sld [smem:$0x3F97];
	_ =	swait.ge [sflag:s4], $0x0  }
0x19: {  	s7 =	sld [smem:$0x3F98]  }
0x1a: {  	s8 =	sadd.s32 $0xFFFFE003, lr  }
0x1b: {  	s9 =	sadd.s32 $0xFFFFFEF7, lr;
	s5 =	simm.s32 $0xFFFFFFFF;
	p2 =	slt.u32 s8, $0xFFFFF086  }
0x1c: {  	p1 =	slt.u32 s9, $0xF7A;
	s5 =	simm.s32 @!p2 $0x0  }
0x1d: {  	s5 =	simm.s32 @p1 $0x1;
	p0 =	seq.s32 s7, s2  }
0x1e: {  	s7 =	smul.u32 @!p0 $0xF7A, s2;
	p2 =	seq.s32 @!p0 s5, $0x0  }
0x1f: {  	s9 =	smul.u32 $0xF7A, s1;
	s8 =	simm.s32 @!p0 $0x1BF5;
	p2 =	por !p2, p0  }
0x20: {  	[sflag:s8] =	ssyncset.s32 @!p0 $0xFFFFF086;
	s6 =	sadd.s32 @!p0 s3, s7;
	s7 =	simm.s32 @!p0 $0x108  }
0x21: {  	s3 =	sadd.s32 s3, s9;
	s6 =	sadd.s32 @!p0 $0x88, s6;
	s7 =	simm.s32 @p2 $0x1082  }
0x22: {  	[simem:s7], [sflag:s8] =	dma.local @!p0 [hbm:s6], $0xF7A  }
0x23: {  	s9 =	sor.u32 $0xD0000000, s2;
	s6 =	simm.s32 $0x108;
	_ =	swait.ge @!p0 [sflag:s8], $0x0  }
0x24: {  	s3 =	sadd.s32 $0x88, s3;
	s6 =	simm.s32 @!p1 $0x1082;
	[sflag:s4] =	ssyncset.s32 $0xFFFFF086  }
0x25: {  	[simem:s6], [sflag:s4] =	dma.local [hbm:s3], $0xF7A  }
0x26: {  	[smem:$0x3F98] =	sst s1;
	(tag) =	ssettag s2;
	_ =	strace s9  }
0x27: {  	s1 =	sld [smem:$0x3FA8]  }
0x28: {  	s2 =	sld [smem:$0x3FA9]  }
0x29: {  	s4 =	sld [smem:$0x3FAB]  }
0x2a: {  	p0 =	seq.s32 s5, $0x0;
	s5 =	sld [smem:$0x3FAC]  }
0x2b: {  	s6 =	sld [smem:$0x3FAD]  }
0x2c: {  	s7 =	sld [smem:$0x3FAE]  }
0x2d: {  	s3 =	simm.s32 $0x108;
	s8 =	sld [smem:$0x3FAF]  }
0x2e: {  	s3 =	simm.s32 @!p0 $0x1082;
	s9 =	sld [smem:$0x3FB0]  }
0x2f: {  	lr =	sadd.s32 s0, s3;
	s0 =	sld [smem:$0x3FA7]  }
0x30: {  	s3 =	sld [smem:$0x3FAA]  }
0x31: {  	[smem:$0x3FB3] =	sst s10  }
0x32: {  	s10 =	sld [smem:$0x3FB1];
	_ =	sdelay $0x3  }
0x33: {  	p0 =	seq.s32 s10, $0x1;
	s10 =	sld [smem:$0x3FB3];
	_ =	sdelay $0x3  }
0x34: {  	[smem:$0x3FB3] =	sst s10  }
0x35: {  	s10 =	sld [smem:$0x3FB2];
	_ =	sdelay $0x3  }
0x36: {  	p1 =	seq.s32 s10, $0x1;
	s10 =	sld [smem:$0x3FB3];
	_ =	sdelay $0x3  }
0x37: {  	[smem:$0x3FB3] =	sst s10  }
0x38: {  	s10 =	sld [smem:$0x3FB4]  }
0x39: {  	_ = 	snop;
	(pc) =	sbr.ind lr, $3  }
0x3a: {  	_ = 	snop  }
0x3b: {  	_ = 	snop  }
0x3c: {  	p2 =	seq.s32 s10, $0x1;
	s10 =	sld [smem:$0x3FB3]  }
0x3d: {  	_ =	shalt  }
0x3e: {  	_ =	shalt  }
0x3f: {  	_ =	shalt  }
0x40: {  	_ =	shalt  }
0x41: {  	_ =	shalt  }
0x42: {  	_ =	shalt  }
0x43: {  	_ =	shalt  }
0x44: {  	_ =	shalt  }
0x45: {  	_ =	shalt  }
0x46: {  	_ =	shalt  }
0x47: {  	_ =	shalt  }
0x48: {  	_ =	shalt  }
0x49: {  	_ =	shalt  }
0x4a: {  	_ =	shalt  }
0x4b: {  	_ =	shalt  }
0x4c: {  	_ =	shalt  }
0x4d: {  	_ =	shalt  }
0x4e: {  	_ =	shalt  }
0x4f: {  	_ =	shalt  }
0x50: {  	_ =	shalt  }
0x51: {  	_ =	shalt  }
0x52: {  	_ =	shalt  }
0x53: {  	_ =	shalt  }
0x54: {  	_ =	shalt  }
0x55: {  	_ =	shalt  }
0x56: {  	_ =	shalt  }
0x57: {  	_ =	shalt  }
0x58: {  	_ =	shalt  }
0x59: {  	_ =	shalt  }
0x5a: {  	_ =	shalt  }
0x5b: {  	_ =	shalt  }
0x5c: {  	_ =	shalt  }
0x5d: {  	_ =	shalt  }
0x5e: {  	_ =	shalt  }
0x5f: {  	_ =	shalt  }
0x60: {  	_ =	shalt  }
0x61: {  	_ =	shalt  }
0x62: {  	_ =	shalt  }
0x63: {  	_ =	shalt  }
0x64: {  	_ =	shalt  }
0x65: {  	_ =	shalt  }
0x66: {  	_ =	shalt  }
0x67: {  	_ =	shalt  }
0x68: {  	_ =	shalt  }
0x69: {  	_ =	shalt  }
0x6a: {  	_ =	shalt  }
0x6b: {  	_ =	shalt  }
0x6c: {  	_ =	shalt  }
0x6d: {  	_ =	shalt  }
0x6e: {  	_ =	shalt  }
0x6f: {  	_ =	shalt  }
0x70: {  	_ =	shalt  }
0x71: {  	_ =	shalt  }
0x72: {  	_ =	shalt  }
0x73: {  	_ =	shalt  }
0x74: {  	_ =	shalt  }
0x75: {  	_ =	shalt  }
0x76: {  	_ =	shalt  }
0x77: {  	_ =	shalt  }
0x78: {  	_ =	shalt  }
0x79: {  	_ =	shalt  }
0x7a: {  	_ =	shalt  }
0x7b: {  	_ =	shalt  }
0x7c: {  	_ =	shalt  }
0x7d: {  	_ =	shalt  }
0x7e: {  	_ =	shalt  }
0x7f: {  	_ =	shalt  }
0x80: {  	_ =	shalt  }
0x81: {  	_ =	shalt  }
0x82: {  	_ =	shalt  }
0x83: {  	_ =	shalt  }
0x84: {  	_ =	shalt  }
0x85: {  	_ =	shalt  }
0x86: {  	_ =	shalt  }
0x87: {  	_ =	shalt  }
.Lfunc_end0:
.L_simem_size_0:
called_computation.2_lowered:
.L_overlay_start_0:
0x88: {  	s2 =	sld [smem:$0x3FD9]  }
0x89: {  	s3 =	sld [smem:$0x3FFE];
	_ =	sdelay $0x1  }
0x8a: {  	s1 =	srdreg.scid  }
0x8b: {  	s0 =	sand.u32 $0x1, s1  }
0x8c: {  	s16 =	sshll.u32 s0, $0xA;
	s2 =	sadd.s32 s3, s2  }
0x8d: {  	s2 =	sadd.s32 s2, s16  }
0x8e: {  	[smem:$0x3FBF] =	sst s2  }
0x8f: {  	_ = 	snop  }
0x90: {  	(tm) =	ssettm $0x1  }
0x91: {  	s17 =	sld [smem:$0x3FFB];
	_ =	sdelay $0x3  }
0x92: {  	_ =	strace s17  }
0x93: {  	s2 =	sld [smem:$0x3FFC];
	_ =	sdelay $0x3  }
0x94: {  	_ =	strace s2  }
0x95: {  	s2 =	sld [smem:$0x3FFD];
	_ =	sdelay $0x3  }
0x96: {  	_ =	strace s2  }
0x97: {  	_ =	strace $0x8FFFFFFF  }
0x98: {  	s18 =	sld [smem:$0x3FDB];
	_ =	sdelay $0x1  }
0x99: {  	s19 =	simm.s32 $_scs_section_size  }
0x9a: {  	s4 =	simm.s32 $_size__tile_overlayer_lowered;
	s5 =	simm.s32 $_tile_overlayer_lowered  }
0x9b: {  	s22 =	simm.s32 $0x1BFF;
	s21 =	sshll.u32 s5, $0x1;
	s2 =	sadd.s32 s19, s18  }
0x9c: {  	s6 =	simm.s32 $0x0;
	s20 =	sshll.u32 s4, $0x1;
	s4 =	sadd.s32 s21, s2  }
0x9d: {  	[timem:s6], [sflag:s22] =	dma.local [hbm:s4], s20  }
0x9e: {  	_ =	swait.ge [sflag:s22], s20  }
0x9f: {  	s3 =	ssub.s32 $0x0, s20;
	[sflag:s22] =	ssyncset.done $0x0  }
0xa0: {  	[sflag:s22] =	ssyncadd.s32 s3;
	_ =	sdelay $0x1  }
0xa1: {  	s23 =	simm.s32 $0x1B8B  }
0xa2: {  	_ =	swait.ge [sflag:s23], $0x1  }
0xa3: {  	[sflag:s23] =	ssyncset.done $0x0  }
0xa4: {  	s25 =	simm.s32 $0x1B8E;
	s24 =	sld [smem:$0x3FFE];
	[sflag:s23] =	ssyncadd.s32 $0xFFFFFFFF  }
0xa5: {  	s26 =	simm.s32 $execute0_lowered;
	[smem:$0x3FD2] =	sst s25  }
0xa6: {  	s4 =	sshll.u32 s26, $0x1;
	_ =	strace $0x8000004C;
	[dreg:$0x1] =	wrdreg $0xFFFFFFFF  }
0xa7: {  	s28 =	simm.s32 $_size_execute0_lowered;
	s2 =	sadd.s32 s2, s4;
	[dreg:$0x0] =	wrdreg $0x0  }
0xa8: {  	s4 =	sshll.u32 s28, $0x1;
	[dreg:$0x2] =	wrdreg s2  }
0xa9: {  	[dreg:$0x3] =	wrdreg s4  }
0xaa: {  	[dreg:$0x4] =	wrdreg $0xC0  }
0xab: {  	_ =	task [dreg:s6], $0x5FFFF  }
0xac: {  	[dreg:$0x1] =	wrdreg $0xFFFFFFFF  }
0xad: {  	[dreg:$0x0] =	wrdreg $0x60  }
0xae: {  	[dreg:$0x2] =	wrdreg s24  }
0xaf: {  	[dreg:$0x3] =	wrdreg $0x9  }
0xb0: {  	_ =	task.clear_ibuf [dreg:s6], $0x4FFFF;
	_ =	strace $0x9000004C  }
0xb1: {  	s29 =	simm.s32 $0x9;
	_ =	strace $0x8000004E  }
0xb2: {  	_ =	swait.ge [sflag:s29], $0x1  }
0xb3: {  	[sflag:s29] =	ssyncadd.s32 $0xFFFFFFFF  }
0xb4: {  	_ =	strace $0x9000004E  }
0xb5: {  	_ =	sfence  }
0xb6: {  	s30 =	sld [smem:$0x0];
	_ =	sdelay $0x2  }
0xb7: {  	s31 =	sshll.u32 s1, $0xD;
	s1 =	sshrl.u32 s1, $0x2  }
0xb8: {  	s3 =	sand.u32 $0x4000, s31;
	s1 =	sadd.s32 s1, s30  }
0xb9: {  	s0 =	sor.u32 s3, s0;
	s1 =	sshll.u32 s1, $0x11  }
0xba: {  	s0 =	sor.u32 s1, s0  }
0xbb: {  	s0 =	sadd.s32 $0x8F2B, s0  }
0xbc: {  	[sflag:s0] =	ssyncadd.remote.s32 $0x1  }
0xbd: {  	_ =	sfence.sel $0xFFFF  }
0xbe: {  	[dreg:$0x0] =	wrdreg $0xFFFFFFFF;
	(pc) =	sbr.abs _section_cstart, $3  }
0xbf: {  	[dreg:$0x1] =	wrdreg $0xFFFFFFFF  }
0xc0: {  	_ =	task.clear_ibuf [dreg:s6], $0x2FFFF;
	_ =	strace $0x9FFFFFFF  }
0xc1: {  	(tm) =	ssettm $0x7FFFFFFF  }
tec
execute0_lowered:
.L_overlay_start_1:
0x0: {  	(tag) =	ssettag $0x1  }
0x1: {  	s1 =	rddreg [dreg:$0x0];
	s3 =	srdreg.scid  }
0x2: {  	s0 =	rddreg [dreg:$0x1];
	s2 =	simm.s32 $0x0;
	s4 =	stileid.u32  }
0x3: {  	s10 =	simm.s32 $0x1800;
	s11 =	simm.s32 $0x2;
	s12 =	simm.s32 $0x1  }
.Ltmp0:
0x4: {  	s13 =	simm.s32 $0x800;
	s3 =	sand.u32 $0x1, s3;
	(pc) =	sbr.rel .LBB2_1-.Ltmp0, $4  }
0x5: {  	s14 =	simm.s32 $0x1000;
	s15 =	simm.s32 $0x0;
	s7 =	ssub.s32 $0x2, s3  }
0x6: {  	[smem:$0x7FF] =	sst s2;
	s5 =	sadd.s32 $0xA1C00, s1;
	s8 =	sshrl.u32 s7, $0x1  }
0x7: {  	v0 =	vlaneseq.u32;
	s6 =	sadd.s32 $0xC2000, s1;
	_ =	strace $0x8000004D;
	s9 =	ssub.s32 s7, s8  }
0x8: {  	v1 =	vor.u32 $0x100000, v0;
	s7 =	sadd.s32 $0x20400, s1;
	s8 =	sshll.u32 s4, $0x1;
	s9 =	smax.u32 s9, $0x1  }
.LBB2_7:
0x9: {  	s15 =	sadd.s32 $0x1, s15  }
0xa: {  	p0 =	sne.s32 s15, s9  }
.Ltmp1:
0xb: {  	_ = 	snop;
	(pc) =	sbr.rel @!p0 .LBB2_8-.Ltmp1, $1  }
0xc: {  	_ =	sdelay $0x3  }
.LBB2_1:
.Ltmp2:
0xd: {  	(pc) =	sbr.rel .LBB2_2-.Ltmp2, $4  }
0xe: {  	[tilespmem:s10], [sflag:$0x2] =	stream.linear.gather [hbm4b:s6+s2], $0x480, $0x38;
	[tilespmem:$0x1C80] =	vst v63  }
0xf: {  	_ =	swait.ge [sflag:s11], $0x480  }
0x10: {  	[sflag:s11] =	ssyncset.done $0x0  }
0x11: {  	s16 =	simm.s32 $0x0;
	[sflag:s11] =	ssyncadd.s32 $0xFFFFFB80  }
.LBB2_6:
0x12: {  	s16 =	sadd.s32 $0x1, s16  }
0x13: {  	p0 =	sne.s32 s16, $0x11  }
.Ltmp3:
0x14: {  	_ = 	snop;
	(pc) =	sbr.rel @!p0 .LBB2_7-.Ltmp3, $1  }
0x15: {  	_ =	sdelay $0x3  }
.LBB2_2:
0x16: {  	s17 =	sshll.u32 s16, $0x5  }
0x17: {  	s17 =	sor.u32 s8, s17  }
0x18: {  	p0 =	sgt.u32 s17, $0x203  }
.Ltmp4:
0x19: {  	_ = 	snop;
	(pc) =	sbr.rel @p0 .LBB2_6-.Ltmp4, $1  }
0x1a: {  	_ =	sdelay $0x3  }
0x1b: {  	s18 =	sor.u32 s3, s17  }
0x1c: {  	s19 =	sshll.u32 s18, $0x8  }
0x1d: {  	s17 =	simm.s32 $0x0;
	s20 =	sadd.s32 s1, s19  }
0x1e: {  	[tilespmem:s17], [sflag:$0x1] =	stream.linear.gather [hbm4b:s20+s17], $0x800, $0x38;
	[tilespmem:$0x1C80] =	vst v63  }
0x1f: {  	_ =	swait.ge [sflag:s12], $0x800  }
0x20: {  	[sflag:s12] =	ssyncset.done $0x0  }
0x21: {  	s30 =	simm.s32 $0x800;
	s19 =	sadd.s32 s5, s19;
	[sflag:s12] =	ssyncadd.s32 $0xFFFFF800  }
0x22: {  	[tilespmem:s30], [sflag:$0x1] =	stream.linear.gather [hbm4b:s19+s17], $0x800, $0x38;
	[tilespmem:$0x1C80] =	vst v63  }
0x23: {  	_ =	swait.ge [sflag:s12], $0x800  }
0x24: {  	s18 =	sshll.u32 s18, $0x1;
	[sflag:s12] =	ssyncset.done $0x0  }
0x25: {  	s18 =	sand.u32 $0x3FFFFFFE, s18;
	[sflag:s12] =	ssyncadd.s32 $0xFFFFF800  }
0x26: {  	v2 =	vld [tilespmem:s18+$0x1800];
	_ =	sdelay $0x4  }
0x27: {  	(v2sf) =	vpush v2, $0x0  }
0x28: {  	(v2sf) =	vpush v2, $0x1;
	_ =	sdelay $0xc  }
0x29: {  	v2 =	vld [tilespmem:s30+$0x0]  }
0x2a: {  	p0 =	por $0x0, $0x0;
	s18 =	spop (v2sf)  }
0x2b: {  	s31 =	sand.u32 $0x3F0, s17;
	s19 =	spop (v2sf);
	s21 =	smov.u32 s18  }
0x2c: {  	v3 =	vor.u32 s31, v0;
	s21 =	smov.u32 @p0 s19  }
0x2d: {  	vm0 =	vlt.s32 v3, s21  }
0x2e: {  	s20 =	simm.s32 $0x1000;
	v2 =	vsel vm0, v2, v1  }
0x2f: {  	s22 =	simm.s32 $0x810;
	[tilespmem:s20+$0x0] =	vst v2  }
0x30: {  	s23 =	simm.s32 $0x2;
	s21 =	simm.s32 $0x1;
	v2 =	vld [tilespmem:s22+$0x0]  }
.LBB2_4:
0x31: {  	s17 =	sadd.s32 $0x10, s17  }
0x32: {  	p0 =	sne.s32 s23, $0x7F;
	s24 =	sand.u32 $0x3F0, s17  }
0x33: {  	p1 =	sgt.u32 s21, $0x3F;
	s21 =	smov.u32 s23;
	v3 =	vor.u32 s24, v0;
	s24 =	smov.u32 s18  }
.Ltmp5:
0x34: {  	s24 =	smov.u32 @p1 s19;
	(pc) =	sbr.rel @p0 .LBB2_4-.Ltmp5, $4  }
0x35: {  	vm0 =	vlt.s32 v3, s24  }
0x36: {  	s20 =	sadd.s32 $0x10, s20;
	v2 =	vsel vm0, v2, v1  }
0x37: {  	s22 =	sadd.s32 $0x10, s22;
	[tilespmem:s20+$0x0] =	vst v2  }
0x38: {  	s23 =	sadd.s32 $0x1, s23;
	v2 =	vld [tilespmem:s22+$0x0]  }
0x39: {  	s17 =	sadd.s32 $0x10, s17  }
0x3a: {  	p0 =	sgt.u32 s21, $0x3F;
	s17 =	sand.u32 $0x3F0, s17  }
0x3b: {  	s18 =	smov.u32 @p0 s19;
	v3 =	vor.u32 s17, v0  }
0x3c: {  	vm0 =	vlt.s32 v3, s18  }
0x3d: {  	s31 =	sadd.s32 $0x10, s20;
	v2 =	vsel vm0, v2, v1  }
.Ltmp6:
0x3e: {  	[tilespmem:s31+$0x0] =	vst v2;
	(pc) =	sbr.rel .LBB2_6-.Ltmp6, $4  }
0x3f: {  	[hbm4b:s7+s13] =	stream.indirect.scatter [tilespmem:s2], [sflag:$0x1], $0x1, s14, s13, $0xb8;
	[tilespmem:$0x1C80] =	vst v63  }
0x40: {  	_ =	swait.ge [sflag:s12], $0x800  }
0x41: {  	[sflag:s12] =	ssyncset.done $0x0  }
0x42: {  	[sflag:s12] =	ssyncadd.s32 $0xFFFFF800  }
.LBB2_8:
0x43: {  	_ =	sfence.sel $0x180000  }
0x44: {  	[bflag:$0x0] =	sbarrier.arrive $0xFFFF  }
0x45: {  	p0 =	sne.s32 s4, $0x0;
	_ =	strace $0x9000004D  }
0x46: {  	s0 =	sadd.s32 @!p0 $0x100000, s0;
	[bflag:$0x2] =	sbarrier.arrive $0xFFFF  }
0x47: {  	[sflag:s0] =	ssyncadd.tile.s32 @!p0 $0x1;
	_ =	shalt  }
.Lfunc_end2:
_tile_overlayer_lowered:
.L_overlay_start_2:
0x48: {  	(tag) =	ssettag $0x2  }
0x49: {  	s0 =	rddreg [dreg:$0x0];
	s2 =	stileid.u32  }
0x4a: {  	s1 =	rddreg [dreg:$0x1];
	p0 =	sne.s32 s2, $0x0  }
0x4b: {  	s3 =	rddreg [dreg:$0x2];
	[bflag:$0x3] =	sbarrier.arrive $0xFFFF;
	s2 =	simm.s32 @!p0 $0x1C02  }
0x4c: {  	[timem:s3], [sflag:s2] =	dma.local @!p0 [hbm:s0], s1  }
0x4d: {  	s0 =	simm.s32 @!p0 $0x2  }
0x4e: {  	_ =	swait.ge @!p0 [sflag:s0], s1  }
0x4f: {  	s1 =	ssub.s32 @!p0 $0x0, s1;
	[sflag:s0] =	ssyncset.done @!p0 $0x0  }
0x50: {  	[sflag:s0] =	ssyncadd.s32 @!p0 s1  }
0x51: {  	[bflag:$0x3] =	sbarrier.arrive $0xFFFF  }
0x52: {  	_ =	shalt  }

// kernel: kernel.6.cloned.1.call-start
scs
__scs_entry_jumppad:
0x0: {  	(pc) =	sbr.rel $0x88, $3  }
0x1: {  	(tag) =	ssettag $0x0;
	lr =	simm.s32 $0x1  }
0x2: {  	[smem:$0x3F98] =	sst lr;
	_ =	strace $0xD0000000  }
0x3: {  	_ = 	snop  }
0x4: {  	_ = 	snop  }
0x5: {  	_ = 	snop  }
0x6: {  	_ = 	snop  }
0x7: {  	_ = 	snop  }
__scs_overlays_trampoline_lowered:
0x8: {  	[smem:$0x3FA7] =	sst s0  }
0x9: {  	[smem:$0x3FA8] =	sst s1  }
0xa: {  	[smem:$0x3FA9] =	sst s2  }
0xb: {  	[smem:$0x3FAA] =	sst s3  }
0xc: {  	[smem:$0x3FAB] =	sst s4  }
0xd: {  	[smem:$0x3FAC] =	sst s5  }
0xe: {  	[smem:$0x3FAD] =	sst s6  }
0xf: {  	[smem:$0x3FAE] =	sst s7  }
0x10: {  	[smem:$0x3FAF] =	sst s8  }
0x11: {  	[smem:$0x3FB0] =	sst s9;
	s0 =	simm.s32 @!p0 $0x0  }
0x12: {  	s1 =	sld [smem:$0x3F96];
	s0 =	simm.s32 @p0 $0x1  }
0x13: {  	[smem:$0x3FB1] =	sst s0;
	s0 =	simm.s32 @!p1 $0x0  }
0x14: {  	s2 =	sld [smem:$0x3F95];
	s0 =	simm.s32 @p1 $0x1  }
0x15: {  	[smem:$0x3FB2] =	sst s0;
	s0 =	simm.s32 @!p2 $0x0  }
0x16: {  	s3 =	sld [smem:$0x3FDB];
	s0 =	simm.s32 @p2 $0x1  }
0x17: {  	s4 =	simm.s32 $0x1BF5;
	[smem:$0x3FB4] =	sst s0  }
0x18: {  	s0 =	sld [smem:$0x3F97];
	_ =	swait.ge [sflag:s4], $0x0  }
0x19: {  	s7 =	sld [smem:$0x3F98]  }
0x1a: {  	s8 =	sadd.s32 $0xFFFFE003, lr  }
0x1b: {  	s9 =	sadd.s32 $0xFFFFFEF7, lr;
	s5 =	simm.s32 $0xFFFFFFFF;
	p2 =	slt.u32 s8, $0xFFFFF086  }
0x1c: {  	p1 =	slt.u32 s9, $0xF7A;
	s5 =	simm.s32 @!p2 $0x0  }
0x1d: {  	s5 =	simm.s32 @p1 $0x1;
	p0 =	seq.s32 s7, s2  }
0x1e: {  	s7 =	smul.u32 @!p0 $0xF7A, s2;
	p2 =	seq.s32 @!p0 s5, $0x0  }
0x1f: {  	s9 =	smul.u32 $0xF7A, s1;
	s8 =	simm.s32 @!p0 $0x1BF5;
	p2 =	por !p2, p0  }
0x20: {  	[sflag:s8] =	ssyncset.s32 @!p0 $0xFFFFF086;
	s6 =	sadd.s32 @!p0 s3, s7;
	s7 =	simm.s32 @!p0 $0x108  }
0x21: {  	s3 =	sadd.s32 s3, s9;
	s6 =	sadd.s32 @!p0 $0x88, s6;
	s7 =	simm.s32 @p2 $0x1082  }
0x22: {  	[simem:s7], [sflag:s8] =	dma.local @!p0 [hbm:s6], $0xF7A  }
0x23: {  	s9 =	sor.u32 $0xD0000000, s2;
	s6 =	simm.s32 $0x108;
	_ =	swait.ge @!p0 [sflag:s8], $0x0  }
0x24: {  	s3 =	sadd.s32 $0x88, s3;
	s6 =	simm.s32 @!p1 $0x1082;
	[sflag:s4] =	ssyncset.s32 $0xFFFFF086  }
0x25: {  	[simem:s6], [sflag:s4] =	dma.local [hbm:s3], $0xF7A  }
0x26: {  	[smem:$0x3F98] =	sst s1;
	(tag) =	ssettag s2;
	_ =	strace s9  }
0x27: {  	s1 =	sld [smem:$0x3FA8]  }
0x28: {  	s2 =	sld [smem:$0x3FA9]  }
0x29: {  	s4 =	sld [smem:$0x3FAB]  }
0x2a: {  	p0 =	seq.s32 s5, $0x0;
	s5 =	sld [smem:$0x3FAC]  }
0x2b: {  	s6 =	sld [smem:$0x3FAD]  }
0x2c: {  	s7 =	sld [smem:$0x3FAE]  }
0x2d: {  	s3 =	simm.s32 $0x108;
	s8 =	sld [smem:$0x3FAF]  }
0x2e: {  	s3 =	simm.s32 @!p0 $0x1082;
	s9 =	sld [smem:$0x3FB0]  }
0x2f: {  	lr =	sadd.s32 s0, s3;
	s0 =	sld [smem:$0x3FA7]  }
0x30: {  	s3 =	sld [smem:$0x3FAA]  }
0x31: {  	[smem:$0x3FB3] =	sst s10  }
0x32: {  	s10 =	sld [smem:$0x3FB1];
	_ =	sdelay $0x3  }
0x33: {  	p0 =	seq.s32 s10, $0x1;
	s10 =	sld [smem:$0x3FB3];
	_ =	sdelay $0x3  }
0x34: {  	[smem:$0x3FB3] =	sst s10  }
0x35: {  	s10 =	sld [smem:$0x3FB2];
	_ =	sdelay $0x3  }
0x36: {  	p1 =	seq.s32 s10, $0x1;
	s10 =	sld [smem:$0x3FB3];
	_ =	sdelay $0x3  }
0x37: {  	[smem:$0x3FB3] =	sst s10  }
0x38: {  	s10 =	sld [smem:$0x3FB4]  }
0x39: {  	_ = 	snop;
	(pc) =	sbr.ind lr, $3  }
0x3a: {  	_ = 	snop  }
0x3b: {  	_ = 	snop  }
0x3c: {  	p2 =	seq.s32 s10, $0x1;
	s10 =	sld [smem:$0x3FB3]  }
0x3d: {  	_ =	shalt  }
0x3e: {  	_ =	shalt  }
0x3f: {  	_ =	shalt  }
0x40: {  	_ =	shalt  }
0x41: {  	_ =	shalt  }
0x42: {  	_ =	shalt  }
0x43: {  	_ =	shalt  }
0x44: {  	_ =	shalt  }
0x45: {  	_ =	shalt  }
0x46: {  	_ =	shalt  }
0x47: {  	_ =	shalt  }
0x48: {  	_ =	shalt  }
0x49: {  	_ =	shalt  }
0x4a: {  	_ =	shalt  }
0x4b: {  	_ =	shalt  }
0x4c: {  	_ =	shalt  }
0x4d: {  	_ =	shalt  }
0x4e: {  	_ =	shalt  }
0x4f: {  	_ =	shalt  }
0x50: {  	_ =	shalt  }
0x51: {  	_ =	shalt  }
0x52: {  	_ =	shalt  }
0x53: {  	_ =	shalt  }
0x54: {  	_ =	shalt  }
0x55: {  	_ =	shalt  }
0x56: {  	_ =	shalt  }
0x57: {  	_ =	shalt  }
0x58: {  	_ =	shalt  }
0x59: {  	_ =	shalt  }
0x5a: {  	_ =	shalt  }
0x5b: {  	_ =	shalt  }
0x5c: {  	_ =	shalt  }
0x5d: {  	_ =	shalt  }
0x5e: {  	_ =	shalt  }
0x5f: {  	_ =	shalt  }
0x60: {  	_ =	shalt  }
0x61: {  	_ =	shalt  }
0x62: {  	_ =	shalt  }
0x63: {  	_ =	shalt  }
0x64: {  	_ =	shalt  }
0x65: {  	_ =	shalt  }
0x66: {  	_ =	shalt  }
0x67: {  	_ =	shalt  }
0x68: {  	_ =	shalt  }
0x69: {  	_ =	shalt  }
0x6a: {  	_ =	shalt  }
0x6b: {  	_ =	shalt  }
0x6c: {  	_ =	shalt  }
0x6d: {  	_ =	shalt  }
0x6e: {  	_ =	shalt  }
0x6f: {  	_ =	shalt  }
0x70: {  	_ =	shalt  }
0x71: {  	_ =	shalt  }
0x72: {  	_ =	shalt  }
0x73: {  	_ =	shalt  }
0x74: {  	_ =	shalt  }
0x75: {  	_ =	shalt  }
0x76: {  	_ =	shalt  }
0x77: {  	_ =	shalt  }
0x78: {  	_ =	shalt  }
0x79: {  	_ =	shalt  }
0x7a: {  	_ =	shalt  }
0x7b: {  	_ =	shalt  }
0x7c: {  	_ =	shalt  }
0x7d: {  	_ =	shalt  }
0x7e: {  	_ =	shalt  }
0x7f: {  	_ =	shalt  }
0x80: {  	_ =	shalt  }
0x81: {  	_ =	shalt  }
0x82: {  	_ =	shalt  }
0x83: {  	_ =	shalt  }
0x84: {  	_ =	shalt  }
0x85: {  	_ =	shalt  }
0x86: {  	_ =	shalt  }
0x87: {  	_ =	shalt  }
.Lfunc_end0:
.L_simem_size_0:
called_computation_lowered:
.L_overlay_start_0:
0x88: {  	s2 =	sld [smem:$0x3FD9]  }
0x89: {  	s3 =	sld [smem:$0x3FFE];
	_ =	sdelay $0x1  }
0x8a: {  	s1 =	srdreg.scid  }
0x8b: {  	s0 =	sand.u32 $0x1, s1  }
0x8c: {  	s17 =	sshll.u32 s0, $0xA;
	s2 =	sadd.s32 s3, s2  }
0x8d: {  	s2 =	sadd.s32 s2, s17  }
0x8e: {  	[smem:$0x3FBF] =	sst s2  }
0x8f: {  	_ = 	snop  }
0x90: {  	s2 =	sld [smem:$0x3FD0];
	(tm) =	ssettm $0x1  }
0x91: {  	s18 =	sld [smem:$0x3FFB];
	_ =	sdelay $0x3  }
0x92: {  	_ =	strace s18  }
0x93: {  	s3 =	sld [smem:$0x3FFC];
	_ =	sdelay $0x3  }
0x94: {  	_ =	strace s3  }
0x95: {  	s3 =	sld [smem:$0x3FFD];
	_ =	sdelay $0x3  }
0x96: {  	_ =	strace s3  }
0x97: {  	_ =	strace $0x8FFFFFFF  }
0x98: {  	s19 =	sld [smem:$0x3FDB];
	_ =	sdelay $0x1  }
0x99: {  	s4 =	simm.s32 $_scs_section_size  }
0x9a: {  	s5 =	simm.s32 $_size__tile_overlayer_lowered;
	s6 =	simm.s32 $_tile_overlayer_lowered  }
0x9b: {  	s22 =	simm.s32 $0x1BFF;
	s21 =	sshll.u32 s6, $0x1;
	s3 =	sadd.s32 s4, s19  }
0x9c: {  	s7 =	simm.s32 $0x0;
	s20 =	sshll.u32 s5, $0x1;
	s5 =	sadd.s32 s21, s3  }
0x9d: {  	[timem:s7], [sflag:s22] =	dma.local [hbm:s5], s20  }
0x9e: {  	_ =	swait.ge [sflag:s22], s20  }
0x9f: {  	s4 =	ssub.s32 $0x0, s20;
	[sflag:s22] =	ssyncset.done $0x0  }
0xa0: {  	[sflag:s22] =	ssyncadd.s32 s4;
	_ =	sdelay $0x1  }
0xa1: {  	s23 =	simm.s32 $0x1B8B  }
0xa2: {  	_ =	swait.ge [sflag:s23], $0x1  }
0xa3: {  	[sflag:s23] =	ssyncset.done $0x0  }
0xa4: {  	s25 =	simm.s32 $0x1B8E;
	s24 =	sld [smem:$0x3FFE];
	[sflag:s23] =	ssyncadd.s32 $0xFFFFFFFF  }
0xa5: {  	s26 =	simm.s32 $execute0_lowered;
	[smem:$0x3FD2] =	sst s25  }
0xa6: {  	s5 =	sshll.u32 s26, $0x1;
	_ =	strace $0x80000046;
	[dreg:$0x1] =	wrdreg $0xFFFFFFFF  }
0xa7: {  	s28 =	simm.s32 $_size_execute0_lowered;
	s3 =	sadd.s32 s3, s5;
	[dreg:$0x0] =	wrdreg $0x0  }
0xa8: {  	s5 =	sshll.u32 s28, $0x1;
	[dreg:$0x2] =	wrdreg s3  }
0xa9: {  	[dreg:$0x3] =	wrdreg s5  }
0xaa: {  	[dreg:$0x4] =	wrdreg $0xC0  }
0xab: {  	_ =	task [dreg:s7], $0x5FFFF  }
0xac: {  	[dreg:$0x1] =	wrdreg $0xFFFFFFFF  }
0xad: {  	[dreg:$0x0] =	wrdreg $0x60  }
0xae: {  	[dreg:$0x2] =	wrdreg s2  }
0xaf: {  	[dreg:$0x3] =	wrdreg s24  }
0xb0: {  	[dreg:$0x4] =	wrdreg $0x9  }
0xb1: {  	_ =	task.clear_ibuf [dreg:s7], $0x5FFFF;
	_ =	strace $0x90000046  }
0xb2: {  	s29 =	simm.s32 $0x9;
	_ =	strace $0x80000048  }
0xb3: {  	_ =	swait.ge [sflag:s29], $0x1  }
0xb4: {  	[sflag:s29] =	ssyncadd.s32 $0xFFFFFFFF  }
0xb5: {  	_ =	strace $0x90000048  }
0xb6: {  	_ =	sfence  }
0xb7: {  	s30 =	sld [smem:$0x0];
	_ =	sdelay $0x2  }
0xb8: {  	s31 =	sshll.u32 s1, $0xD;
	s1 =	sshrl.u32 s1, $0x2  }
0xb9: {  	s3 =	sand.u32 $0x4000, s31;
	s1 =	sadd.s32 s1, s30  }
0xba: {  	s0 =	sor.u32 s3, s0;
	s1 =	sshll.u32 s1, $0x11  }
0xbb: {  	s0 =	sor.u32 s1, s0  }
0xbc: {  	s0 =	sadd.s32 $0x8F2B, s0  }
0xbd: {  	[sflag:s0] =	ssyncadd.remote.s32 $0x1  }
0xbe: {  	_ =	sfence.sel $0xFFFF  }
0xbf: {  	[dreg:$0x0] =	wrdreg $0xFFFFFFFF;
	(pc) =	sbr.abs _section_cstart, $3  }
0xc0: {  	[dreg:$0x1] =	wrdreg $0xFFFFFFFF  }
0xc1: {  	_ =	task.clear_ibuf [dreg:s7], $0x2FFFF;
	_ =	strace $0x9FFFFFFF  }
0xc2: {  	(tm) =	ssettm $0x7FFFFFFF  }
0xc3: {  	_ =	shalt  }
tec
execute0_lowered:
.L_overlay_start_1:
0x0: {  	(tag) =	ssettag $0x1  }
0x1: {  	s1 =	rddreg [dreg:$0x0]  }
0x2: {  	s2 =	rddreg [dreg:$0x1];
	s3 =	simm.s32 $0x0  }
0x3: {  	[smem:$0x7FF] =	sst s3  }
0x4: {  	s0 =	rddreg [dreg:$0x2];
	v0 =	vimm.f32 $2.000000000e+00;
	_ =	strace $0x80000047  }
0x5: {  	(erf) = vrcp.f32 v0;
	_ =	sdelay $0x1  }
0x6: {  	s5 =	srdreg.scid;
	s4 =	stileid.u32  }
0x7: {  	s10 =	simm.s32 $0x4000;
	s11 =	simm.s32 $0x1;
	s12 =	simm.s32 $0x2  }
0x8: {  	s13 =	simm.s32 $0x3;
	s14 =	simm.s32 $0x6000;
	s15 =	simm.s32 $0x4  }
0x9: {  	s16 =	simm.s32 $0x0;
	s5 =	sand.u32 $0x1, s5;
	s6 =	sshll.u32 s4, $0x1  }
0xa: {  	s20 =	simm.s32 $0x0;
	s6 =	sor.u32 s5, s6;
	s8 =	ssub.s32 $0x2, s5  }
0xb: {  	s5 =	sadd.s32 $0x20000, s2;
	s7 =	sshll.u32 s6, $0x7;
	s9 =	sshrl.u32 s8, $0x1  }
0xc: {  	s6 =	sshll.u32 s6, $0xC;
	s7 =	sadd.s32 s7, s2;
	s8 =	ssub.s32 s8, s9  }
0xd: {  	v1 =	vimm.s32 $0x0;
	s9 =	simm.s32 $0x2000;
	s7 =	sadd.s32 $0x40000, s7;
	s8 =	smax.u32 s8, $0x1;
	v0 =	vpop (erf)  }
.LBB2_1:
0xe: {  	v3 =	vimm.s32 $0x0;
	v2 =	vimm.s32 $0x0  }
0xf: {  	v8 =	vimm.s32 $0x0;
	v9 =	vimm.s32 $0x0;
	v7 =	vimm.s32 $0x0  }
0x10: {  	v5 =	vimm.s32 $0x0;
	v4 =	vimm.s32 $0x0;
	v6 =	vimm.s32 $0x0;
	s17 =	simm.s32 $0x0  }
.LBB2_2:
0x11: {  	s18 =	sshll.u32 s17, $0xA  }
0x12: {  	s18 =	sadd.s32 s6, s18  }
0x13: {  	s19 =	sadd.s32 s1, s18  }
0x14: {  	[tilespmem:s20], [sflag:$0x1] =	stream.linear.gather [hbm4b:s19+s20], $0x2000, $0x38;
	[tilespmem:$0x6400] =	vst v63  }
0x15: {  	s29 =	sadd.s32 s2, s18  }
0x16: {  	[tilespmem:s9], [sflag:$0x2] =	stream.linear.gather [hbm4b:s29+s20], $0x2000, $0x38;
	[tilespmem:$0x6400] =	vst v63  }
0x17: {  	s18 =	sadd.s32 s5, s18  }
0x18: {  	[tilespmem:s10], [sflag:$0x3] =	stream.linear.gather [hbm4b:s18+s20], $0x2000, $0x38;
	[tilespmem:$0x6400] =	vst v63  }
0x19: {  	_ =	swait.ge [sflag:s11], $0x2000  }
0x1a: {  	[sflag:s11] =	ssyncset.done $0x0  }
0x1b: {  	[sflag:s11] =	ssyncadd.s32 $0xFFFFE000  }
0x1c: {  	_ =	swait.ge [sflag:s12], $0x2000  }
0x1d: {  	[sflag:s12] =	ssyncset.done $0x0  }
0x1e: {  	[sflag:s12] =	ssyncadd.s32 $0xFFFFE000  }
0x1f: {  	_ =	swait.ge [sflag:s13], $0x2000  }
0x20: {  	[sflag:s13] =	ssyncset.done $0x0  }
0x21: {  	s30 =	simm.s32 $0x0;
	[sflag:s13] =	ssyncadd.s32 $0xFFFFE000  }
0x22: {  	v10 =	vld [tilespmem:s30+$0x0]  }
0x23: {  	v11 =	vld [tilespmem:s30+$0x2000]  }
0x24: {  	v12 =	vld [tilespmem:s30+$0x4000];
	_ =	sdelay $0x3  }
0x25: {  	v10 =	vadd.f32 $1.000000000e+00, v10;
	v11 =	vadd.f32 $1.000000000e+00, v11  }
0x26: {  	v12 =	vadd.f32 $1.000000000e+00, v12  }
0x27: {  	v10 =	vmul.f32 v10, v0;
	v11 =	vmul.f32 v11, v0  }
0x28: {  	v12 =	vmul.f32 v12, v0  }
0x29: {  	v10 =	vmax.f32 v10, $0.0e+00;
	v11 =	vmax.f32 v11, $0.0e+00  }
0x2a: {  	v12 =	vmax.f32 v12, $0.0e+00;
	v10 =	vmin.f32 v10, $9.900000090e-01;
	v11 =	vmin.f32 v11, $9.900000090e-01  }
0x2b: {  	v12 =	vmin.f32 v12, $9.900000090e-01;
	v10 =	vadd.f32 v10, v10;
	v11 =	vadd.f32 v11, v11  }
0x2c: {  	v12 =	vadd.f32 v12, v12  }
0x2d: {  	v10 =	vtrunc.f32 v10;
	v11 =	vtrunc.f32 v11  }
0x2e: {  	v12 =	vtrunc.f32 v12;
	v11 =	vcvt.f32.s32 v11  }
0x2f: {  	s31 =	simm.s32 $0x10;
	v10 =	vcvt.f32.s32 v10;
	v12 =	vcvt.f32.s32 v12  }
0x30: {  	v13 =	vld [tilespmem:s31+$0x0];
	v11 =	vshll.u32 v11, $0x1  }
0x31: {  	v14 =	vld [tilespmem:s31+$0x2000];
	v10 =	vadd.s32 v10, v11;
	v11 =	vshll.u32 v12, $0x2  }
0x32: {  	v12 =	vld [tilespmem:s31+$0x4000];
	v10 =	vadd.s32 v11, v10  }
0x33: {  	vm0 =	veq.s32 v10, $0x0;
	vm1 =	veq.s32 v10, $0x1;
	vm2 =	veq.s32 v10, $0x7  }
0x34: {  	vm3 =	veq.s32 v10, $0x2;
	vm4 =	veq.s32 v10, $0x3;
	vm15 =	veq.s32 v10, $0x4  }
0x35: {  	vm5 =	veq.s32 v10, $0x5;
	vm6 =	veq.s32 v10, $0x6;
	v11 =	vsel vm2, $0x1, v1  }
0x36: {  	v3 =	vadd.s32 v11, v3;
	v11 =	vadd.f32 $1.000000000e+00, v13;
	v13 =	vadd.f32 $1.000000000e+00, v14  }
0x37: {  	v15 =	vsel vm3, $0x1, v1;
	v16 =	vsel vm4, $0x1, v1;
	v10 =	vadd.f32 $1.000000000e+00, v12  }
0x38: {  	v17 =	vsel vm15, $0x1, v1;
	v11 =	vmul.f32 v11, v0;
	v13 =	vmul.f32 v13, v0  }
0x39: {  	v18 =	vsel vm5, $0x1, v1;
	v14 =	vsel vm1, $0x1, v1;
	v10 =	vmul.f32 v10, v0  }
0x3a: {  	v5 =	vadd.s32 v15, v5;
	v11 =	vmax.f32 v11, $0.0e+00;
	v13 =	vmax.f32 v13, $0.0e+00  }
0x3b: {  	v11 =	vmin.f32 v11, $9.900000090e-01;
	v13 =	vmin.f32 v13, $9.900000090e-01;
	v10 =	vmax.f32 v10, $0.0e+00  }
0x3c: {  	v11 =	vadd.f32 v11, v11;
	v13 =	vadd.f32 v13, v13;
	v10 =	vmin.f32 v10, $9.900000090e-01  }
0x3d: {  	v7 =	vadd.s32 v16, v7;
	v12 =	vsel vm0, $0x1, v1;
	v19 =	vadd.f32 v10, v10  }
0x3e: {  	v6 =	vadd.s32 v12, v6;
	v11 =	vtrunc.f32 v11;
	v12 =	vtrunc.f32 v13  }
0x3f: {  	v4 =	vadd.s32 v14, v4;
	v14 =	vcvt.f32.s32 v12;
	v13 =	vtrunc.f32 v19  }
0x40: {  	s19 =	simm.s32 $0x20;
	v9 =	vadd.s32 v17, v9;
	v12 =	vcvt.f32.s32 v11;
	v13 =	vcvt.f32.s32 v13  }
0x41: {  	s18 =	simm.s32 $0xC0;
	v8 =	vadd.s32 v18, v8;
	v10 =	vsel vm6, $0x1, v1;
	v11 =	vld [tilespmem:s19+$0x0];
	v14 =	vshll.u32 v14, $0x1  }
.LBB2_3:
0x42: {  	p0 =	sne.s32 s18, $0x7FC0;
	v15 =	vld [tilespmem:s19+$0x2000];
	v12 =	vadd.s32 v12, v14;
	v13 =	vshll.u32 v13, $0x2;
	v2 =	vadd.s32 v10, v2  }
0x43: {  	v10 =	vld [tilespmem:s19+$0x4000];
	v12 =	vadd.s32 v13, v12  }
0x44: {  	vm0 =	veq.s32 v12, $0x0;
	vm1 =	veq.s32 v12, $0x1;
	vm2 =	veq.s32 v12, $0x7  }
0x45: {  	vm3 =	veq.s32 v12, $0x2;
	vm4 =	veq.s32 v12, $0x3;
	v13 =	vsel vm2, $0x1, v1  }
0x46: {  	vm5 =	veq.s32 v12, $0x5;
	vm2 =	veq.s32 v12, $0x4;
	v3 =	vadd.s32 v13, v3  }
0x47: {  	vm6 =	veq.s32 v12, $0x6;
	v11 =	vadd.f32 $1.000000000e+00, v11;
	v13 =	vadd.f32 $1.000000000e+00, v15  }
0x48: {  	v12 =	vsel vm0, $0x1, v1;
	v14 =	vsel vm1, $0x1, v1;
	v10 =	vadd.f32 $1.000000000e+00, v10  }
0x49: {  	v15 =	vsel vm3, $0x1, v1;
	v11 =	vmul.f32 v11, v0;
	v13 =	vmul.f32 v13, v0  }
0x4a: {  	v16 =	vsel vm4, $0x1, v1;
	v17 =	vsel vm2, $0x1, v1;
	v10 =	vmul.f32 v10, v0  }
0x4b: {  	v18 =	vsel vm5, $0x1, v1;
	v11 =	vmax.f32 v11, $0.0e+00;
	v13 =	vmax.f32 v13, $0.0e+00  }
0x4c: {  	v11 =	vmin.f32 v11, $9.900000090e-01;
	v13 =	vmin.f32 v13, $9.900000090e-01;
	v10 =	vmax.f32 v10, $0.0e+00  }
0x4d: {  	v11 =	vadd.f32 v11, v11;
	v13 =	vadd.f32 v13, v13;
	v10 =	vmin.f32 v10, $9.900000090e-01  }
.Ltmp0:
0x4e: {  	v6 =	vadd.s32 v12, v6;
	v19 =	vadd.f32 v10, v10;
	v10 =	vsel vm6, $0x1, v1;
	(pc) =	sbr.rel @p0 .LBB2_3-.Ltmp0, $4  }
0x4f: {  	v4 =	vadd.s32 v14, v4;
	v11 =	vtrunc.f32 v11;
	v12 =	vtrunc.f32 v13  }
0x50: {  	v5 =	vadd.s32 v15, v5;
	v14 =	vcvt.f32.s32 v12;
	v13 =	vtrunc.f32 v19  }
0x51: {  	s19 =	sshra.s32 s18, $0x2;
	v7 =	vadd.s32 v16, v7;
	v12 =	vcvt.f32.s32 v11;
	v13 =	vcvt.f32.s32 v13  }
0x52: {  	s18 =	sadd.s32 $0x40, s18;
	v8 =	vadd.s32 v18, v8;
	v9 =	vadd.s32 v17, v9;
	v11 =	vld [tilespmem:s19+$0x0];
	v14 =	vshll.u32 v14, $0x1  }
0x53: {  	v15 =	vld [tilespmem:s19+$0x2000];
	v12 =	vadd.s32 v12, v14;
	v13 =	vshll.u32 v13, $0x2  }
0x54: {  	v53 =	vld [tilespmem:s19+$0x4000];
	v12 =	vadd.s32 v13, v12  }
0x55: {  	v2 =	vadd.s32 v10, v2;
	vm0 =	veq.s32 v12, $0x0  }
0x56: {  	vm1 =	veq.s32 v12, $0x1;
	vm2 =	veq.s32 v12, $0x7;
	vm3 =	veq.s32 v12, $0x2  }
0x57: {  	vm4 =	veq.s32 v12, $0x3;
	vm15 =	veq.s32 v12, $0x4;
	vm5 =	veq.s32 v12, $0x5  }
0x58: {  	v10 =	vsel vm2, $0x1, v1;
	v11 =	vadd.f32 $1.000000000e+00, v11;
	v54 =	vadd.f32 $1.000000000e+00, v15  }
0x59: {  	vm6 =	veq.s32 v12, $0x6;
	v3 =	vadd.s32 v10, v3;
	v10 =	vadd.f32 $1.000000000e+00, v53  }
0x5a: {  	v55 =	vsel vm0, $0x1, v1;
	v11 =	vmul.f32 v11, v0;
	v13 =	vmul.f32 v54, v0  }
0x5b: {  	v56 =	vsel vm1, $0x1, v1;
	v57 =	vsel vm3, $0x1, v1;
	v10 =	vmul.f32 v10, v0  }
0x5c: {  	v16 =	vsel vm4, $0x1, v1;
	v11 =	vmax.f32 v11, $0.0e+00;
	v13 =	vmax.f32 v13, $0.0e+00  }
0x5d: {  	v11 =	vmin.f32 v11, $9.900000090e-01;
	v10 =	vmax.f32 v10, $0.0e+00;
	v13 =	vmin.f32 v13, $9.900000090e-01  }
0x5e: {  	v11 =	vadd.f32 v11, v11;
	v10 =	vmin.f32 v10, $9.900000090e-01;
	v13 =	vadd.f32 v13, v13  }
0x5f: {  	v17 =	vsel vm15, $0x1, v1;
	v18 =	vsel vm5, $0x1, v1;
	v10 =	vadd.f32 v10, v10  }
0x60: {  	v59 =	vsel vm6, $0x1, v1;
	v11 =	vtrunc.f32 v11;
	v58 =	vtrunc.f32 v13  }
0x61: {  	v6 =	vadd.s32 v55, v6;
	v10 =	vtrunc.f32 v10;
	v12 =	vcvt.f32.s32 v58  }
0x62: {  	v4 =	vadd.s32 v56, v4;
	v11 =	vcvt.f32.s32 v11;
	v10 =	vcvt.f32.s32 v10  }
0x63: {  	v5 =	vadd.s32 v57, v5;
	v7 =	vadd.s32 v16, v7;
	v12 =	vshll.u32 v12, $0x1  }
0x64: {  	v9 =	vadd.s32 v17, v9;
	v10 =	vshll.u32 v10, $0x2;
	v11 =	vadd.s32 v11, v12  }
0x65: {  	v8 =	vadd.s32 v18, v8;
	v2 =	vadd.s32 v59, v2;
	v10 =	vadd.s32 v10, v11  }
0x66: {  	vm0 =	veq.s32 v10, $0x0;
	vm9 =	veq.s32 v10, $0x1;
	vm10 =	veq.s32 v10, $0x7  }
0x67: {  	s17 =	sadd.s32 $0x1, s17;
	vm11 =	veq.s32 v10, $0x2;
	vm12 =	veq.s32 v10, $0x3;
	vm13 =	veq.s32 v10, $0x4  }
0x68: {  	p0 =	sne.s32 s17, $0x4;
	vm14 =	veq.s32 v10, $0x5;
	vm15 =	veq.s32 v10, $0x6;
	v11 =	vsel vm10, $0x1, v1  }
.Ltmp1:
0x69: {  	v10 =	vsel vm0, $0x1, v1;
	v60 =	vsel vm11, $0x1, v1;
	v61 =	vsel vm12, $0x1, v1;
	(pc) =	sbr.rel @p0 .LBB2_2-.Ltmp1, $4  }
0x6a: {  	v62 =	vsel vm13, $0x1, v1;
	v63 =	vsel vm14, $0x1, v1;
	v3 =	vadd.s32 v11, v3  }
0x6b: {  	v11 =	vsel vm9, $0x1, v1;
	v6 =	vadd.s32 v10, v6;
	v10 =	vsel vm15, $0x1, v1  }
0x6c: {  	v5 =	vadd.s32 v60, v5;
	v7 =	vadd.s32 v61, v7;
	v9 =	vadd.s32 v62, v9  }
0x6d: {  	v8 =	vadd.s32 v63, v8;
	v4 =	vadd.s32 v11, v4;
	v2 =	vadd.s32 v10, v2  }
0x6e: {  	[tilespmem:$0x6000] =	vst v6  }
0x6f: {  	[tilespmem:$0x6080] =	vst v4  }
0x70: {  	[tilespmem:$0x6100] =	vst v5  }
0x71: {  	[tilespmem:$0x6180] =	vst v7  }
0x72: {  	[tilespmem:$0x6200] =	vst v9  }
0x73: {  	[tilespmem:$0x6280] =	vst v8;
	s16 =	sadd.s32 $0x1, s16  }
0x74: {  	[tilespmem:$0x6300] =	vst v2;
	p0 =	sne.s32 s16, s8  }
.Ltmp2:
0x75: {  	[tilespmem:$0x6380] =	vst v3;
	(pc) =	sbr.rel @p0 .LBB2_1-.Ltmp2, $4  }
0x76: {  	[hbm4b:s7+s3] =	stream.linear.scatter [tilespmem:s14], [sflag:$0x4], $0x400, $0x38;
	[tilespmem:$0x6400] =	vst v63  }
0x77: {  	_ =	swait.ge [sflag:s15], $0x400  }
0x78: {  	[sflag:s15] =	ssyncset.done $0x0  }
0x79: {  	[sflag:s15] =	ssyncadd.s32 $0xFFFFFC00  }
0x7a: {  	_ =	sfence.sel $0x180000  }
0x7b: {  	[bflag:$0x0] =	sbarrier.arrive $0xFFFF  }
0x7c: {  	p0 =	sne.s32 s4, $0x0;
	_ =	strace $0x90000047  }
0x7d: {  	s0 =	sadd.s32 @!p0 $0x100000, s0;
	[bflag:$0x2] =	sbarrier.arrive $0xFFFF  }
0x7e: {  	[sflag:s0] =	ssyncadd.tile.s32 @!p0 $0x1;
	_ =	shalt  }
.Lfunc_end2:
_tile_overlayer_lowered:
.L_overlay_start_2:
0x7f: {  	(tag) =	ssettag $0x2  }
0x80: {  	s0 =	rddreg [dreg:$0x0];
	s2 =	stileid.u32  }
0x81: {  	s1 =	rddreg [dreg:$0x1];
	p0 =	sne.s32 s2, $0x0  }
0x82: {  	s3 =	rddreg [dreg:$0x2];
	[bflag:$0x3] =	sbarrier.arrive $0xFFFF;
	s2 =	simm.s32 @!p0 $0x1C04  }
0x83: {  	[timem:s3], [sflag:s2] =	dma.local @!p0 [hbm:s0], s1  }
0x84: {  	s0 =	simm.s32 @!p0 $0x4  }
0x85: {  	_ =	swait.ge @!p0 [sflag:s0], s1  }
0x86: {  	s1 =	ssub.s32 @!p0 $0x0, s1;
	[sflag:s0] =	ssyncset.done @!p0 $0x0  }
0x87: {  	[sflag:s0] =	ssyncadd.s32 @!p0 s1  }
0x88: {  	[bflag:$0x3] =	sbarrier.arrive $0xFFFF  }
0x89: {  	_ =	shalt  }

// kernel: kernel.9.cloned.1.call-start
scs
__scs_entry_jumppad:
0x0: {  	(pc) =	sbr.rel $0x88, $3  }
0x1: {  	(tag) =	ssettag $0x0;
	lr =	simm.s32 $0x1  }
0x2: {  	[smem:$0x3F98] =	sst lr;
	_ =	strace $0xD0000000  }
0x3: {  	_ = 	snop  }
0x4: {  	_ = 	snop  }
0x5: {  	_ = 	snop  }
0x6: {  	_ = 	snop  }
0x7: {  	_ = 	snop  }
__scs_overlays_trampoline_lowered:
0x8: {  	[smem:$0x3FA7] =	sst s0  }
0x9: {  	[smem:$0x3FA8] =	sst s1  }
0xa: {  	[smem:$0x3FA9] =	sst s2  }
0xb: {  	[smem:$0x3FAA] =	sst s3  }
0xc: {  	[smem:$0x3FAB] =	sst s4  }
0xd: {  	[smem:$0x3FAC] =	sst s5  }
0xe: {  	[smem:$0x3FAD] =	sst s6  }
0xf: {  	[smem:$0x3FAE] =	sst s7  }
0x10: {  	[smem:$0x3FAF] =	sst s8  }
0x11: {  	[smem:$0x3FB0] =	sst s9;
	s0 =	simm.s32 @!p0 $0x0  }
0x12: {  	s1 =	sld [smem:$0x3F96];
	s0 =	simm.s32 @p0 $0x1  }
0x13: {  	[smem:$0x3FB1] =	sst s0;
	s0 =	simm.s32 @!p1 $0x0  }
0x14: {  	s2 =	sld [smem:$0x3F95];
	s0 =	simm.s32 @p1 $0x1  }
0x15: {  	[smem:$0x3FB2] =	sst s0;
	s0 =	simm.s32 @!p2 $0x0  }
0x16: {  	s3 =	sld [smem:$0x3FDB];
	s0 =	simm.s32 @p2 $0x1  }
0x17: {  	s4 =	simm.s32 $0x1BF5;
	[smem:$0x3FB4] =	sst s0  }
0x18: {  	s0 =	sld [smem:$0x3F97];
	_ =	swait.ge [sflag:s4], $0x0  }
0x19: {  	s7 =	sld [smem:$0x3F98]  }
0x1a: {  	s8 =	sadd.s32 $0xFFFFE003, lr  }
0x1b: {  	s9 =	sadd.s32 $0xFFFFFEF7, lr;
	s5 =	simm.s32 $0xFFFFFFFF;
	p2 =	slt.u32 s8, $0xFFFFF086  }
0x1c: {  	p1 =	slt.u32 s9, $0xF7A;
	s5 =	simm.s32 @!p2 $0x0  }
0x1d: {  	s5 =	simm.s32 @p1 $0x1;
	p0 =	seq.s32 s7, s2  }
0x1e: {  	s7 =	smul.u32 @!p0 $0xF7A, s2;
	p2 =	seq.s32 @!p0 s5, $0x0  }
0x1f: {  	s9 =	smul.u32 $0xF7A, s1;
	s8 =	simm.s32 @!p0 $0x1BF5;
	p2 =	por !p2, p0  }
0x20: {  	[sflag:s8] =	ssyncset.s32 @!p0 $0xFFFFF086;
	s6 =	sadd.s32 @!p0 s3, s7;
	s7 =	simm.s32 @!p0 $0x108  }
0x21: {  	s3 =	sadd.s32 s3, s9;
	s6 =	sadd.s32 @!p0 $0x88, s6;
	s7 =	simm.s32 @p2 $0x1082  }
0x22: {  	[simem:s7], [sflag:s8] =	dma.local @!p0 [hbm:s6], $0xF7A  }
0x23: {  	s9 =	sor.u32 $0xD0000000, s2;
	s6 =	simm.s32 $0x108;
	_ =	swait.ge @!p0 [sflag:s8], $0x0  }
0x24: {  	s3 =	sadd.s32 $0x88, s3;
	s6 =	simm.s32 @!p1 $0x1082;
	[sflag:s4] =	ssyncset.s32 $0xFFFFF086  }
0x25: {  	[simem:s6], [sflag:s4] =	dma.local [hbm:s3], $0xF7A  }
0x26: {  	[smem:$0x3F98] =	sst s1;
	(tag) =	ssettag s2;
	_ =	strace s9  }
0x27: {  	s1 =	sld [smem:$0x3FA8]  }
0x28: {  	s2 =	sld [smem:$0x3FA9]  }
0x29: {  	s4 =	sld [smem:$0x3FAB]  }
0x2a: {  	p0 =	seq.s32 s5, $0x0;
	s5 =	sld [smem:$0x3FAC]  }
0x2b: {  	s6 =	sld [smem:$0x3FAD]  }
0x2c: {  	s7 =	sld [smem:$0x3FAE]  }
0x2d: {  	s3 =	simm.s32 $0x108;
	s8 =	sld [smem:$0x3FAF]  }
0x2e: {  	s3 =	simm.s32 @!p0 $0x1082;
	s9 =	sld [smem:$0x3FB0]  }
0x2f: {  	lr =	sadd.s32 s0, s3;
	s0 =	sld [smem:$0x3FA7]  }
0x30: {  	s3 =	sld [smem:$0x3FAA]  }
0x31: {  	[smem:$0x3FB3] =	sst s10  }
0x32: {  	s10 =	sld [smem:$0x3FB1];
	_ =	sdelay $0x3  }
0x33: {  	p0 =	seq.s32 s10, $0x1;
	s10 =	sld [smem:$0x3FB3];
	_ =	sdelay $0x3  }
0x34: {  	[smem:$0x3FB3] =	sst s10  }
0x35: {  	s10 =	sld [smem:$0x3FB2];
	_ =	sdelay $0x3  }
0x36: {  	p1 =	seq.s32 s10, $0x1;
	s10 =	sld [smem:$0x3FB3];
	_ =	sdelay $0x3  }
0x37: {  	[smem:$0x3FB3] =	sst s10  }
0x38: {  	s10 =	sld [smem:$0x3FB4]  }
0x39: {  	_ = 	snop;
	(pc) =	sbr.ind lr, $3  }
0x3a: {  	_ = 	snop  }
0x3b: {  	_ = 	snop  }
0x3c: {  	p2 =	seq.s32 s10, $0x1;
	s10 =	sld [smem:$0x3FB3]  }
0x3d: {  	_ =	shalt  }
0x3e: {  	_ =	shalt  }
0x3f: {  	_ =	shalt  }
0x40: {  	_ =	shalt  }
0x41: {  	_ =	shalt  }
0x42: {  	_ =	shalt  }
0x43: {  	_ =	shalt  }
0x44: {  	_ =	shalt  }
0x45: {  	_ =	shalt  }
0x46: {  	_ =	shalt  }
0x47: {  	_ =	shalt  }
0x48: {  	_ =	shalt  }
0x49: {  	_ =	shalt  }
0x4a: {  	_ =	shalt  }
0x4b: {  	_ =	shalt  }
0x4c: {  	_ =	shalt  }
0x4d: {  	_ =	shalt  }
0x4e: {  	_ =	shalt  }
0x4f: {  	_ =	shalt  }
0x50: {  	_ =	shalt  }
0x51: {  	_ =	shalt  }
0x52: {  	_ =	shalt  }
0x53: {  	_ =	shalt  }
0x54: {  	_ =	shalt  }
0x55: {  	_ =	shalt  }
0x56: {  	_ =	shalt  }
0x57: {  	_ =	shalt  }
0x58: {  	_ =	shalt  }
0x59: {  	_ =	shalt  }
0x5a: {  	_ =	shalt  }
0x5b: {  	_ =	shalt  }
0x5c: {  	_ =	shalt  }
0x5d: {  	_ =	shalt  }
0x5e: {  	_ =	shalt  }
0x5f: {  	_ =	shalt  }
0x60: {  	_ =	shalt  }
0x61: {  	_ =	shalt  }
0x62: {  	_ =	shalt  }
0x63: {  	_ =	shalt  }
0x64: {  	_ =	shalt  }
0x65: {  	_ =	shalt  }
0x66: {  	_ =	shalt  }
0x67: {  	_ =	shalt  }
0x68: {  	_ =	shalt  }
0x69: {  	_ =	shalt  }
0x6a: {  	_ =	shalt  }
0x6b: {  	_ =	shalt  }
0x6c: {  	_ =	shalt  }
0x6d: {  	_ =	shalt  }
0x6e: {  	_ =	shalt  }
0x6f: {  	_ =	shalt  }
0x70: {  	_ =	shalt  }
0x71: {  	_ =	shalt  }
0x72: {  	_ =	shalt  }
0x73: {  	_ =	shalt  }
0x74: {  	_ =	shalt  }
0x75: {  	_ =	shalt  }
0x76: {  	_ =	shalt  }
0x77: {  	_ =	shalt  }
0x78: {  	_ =	shalt  }
0x79: {  	_ =	shalt  }
0x7a: {  	_ =	shalt  }
0x7b: {  	_ =	shalt  }
0x7c: {  	_ =	shalt  }
0x7d: {  	_ =	shalt  }
0x7e: {  	_ =	shalt  }
0x7f: {  	_ =	shalt  }
0x80: {  	_ =	shalt  }
0x81: {  	_ =	shalt  }
0x82: {  	_ =	shalt  }
0x83: {  	_ =	shalt  }
0x84: {  	_ =	shalt  }
0x85: {  	_ =	shalt  }
0x86: {  	_ =	shalt  }
0x87: {  	_ =	shalt  }
.Lfunc_end0:
.L_simem_size_0:
called_computation.1_lowered:
.L_overlay_start_0:
0x88: {  	s2 =	sld [smem:$0x3FD9]  }
0x89: {  	s3 =	sld [smem:$0x3FFE];
	_ =	sdelay $0x1  }
0x8a: {  	s1 =	srdreg.scid  }
0x8b: {  	s0 =	sand.u32 $0x1, s1  }
0x8c: {  	s17 =	sshll.u32 s0, $0xA;
	s2 =	sadd.s32 s3, s2  }
0x8d: {  	s2 =	sadd.s32 s2, s17  }
0x8e: {  	[smem:$0x3FBF] =	sst s2  }
0x8f: {  	_ = 	snop  }
0x90: {  	s2 =	sld [smem:$0x3FD0];
	(tm) =	ssettm $0x1  }
0x91: {  	s18 =	sld [smem:$0x3FFB];
	_ =	sdelay $0x3  }
0x92: {  	_ =	strace s18  }
0x93: {  	s3 =	sld [smem:$0x3FFC];
	_ =	sdelay $0x3  }
0x94: {  	_ =	strace s3  }
0x95: {  	s3 =	sld [smem:$0x3FFD];
	_ =	sdelay $0x3  }
0x96: {  	_ =	strace s3  }
0x97: {  	_ =	strace $0x8FFFFFFF  }
0x98: {  	s19 =	sld [smem:$0x3FDB];
	_ =	sdelay $0x1  }
0x99: {  	s4 =	simm.s32 $_scs_section_size  }
0x9a: {  	s5 =	simm.s32 $_size__tile_overlayer_lowered;
	s6 =	simm.s32 $_tile_overlayer_lowered  }
0x9b: {  	s22 =	simm.s32 $0x1BFF;
	s21 =	sshll.u32 s6, $0x1;
	s3 =	sadd.s32 s4, s19  }
0x9c: {  	s7 =	simm.s32 $0x0;
	s20 =	sshll.u32 s5, $0x1;
	s5 =	sadd.s32 s21, s3  }
0x9d: {  	[timem:s7], [sflag:s22] =	dma.local [hbm:s5], s20  }
0x9e: {  	_ =	swait.ge [sflag:s22], s20  }
0x9f: {  	s4 =	ssub.s32 $0x0, s20;
	[sflag:s22] =	ssyncset.done $0x0  }
0xa0: {  	[sflag:s22] =	ssyncadd.s32 s4;
	_ =	sdelay $0x1  }
0xa1: {  	s23 =	simm.s32 $0x1B8B  }
0xa2: {  	_ =	swait.ge [sflag:s23], $0x1  }
0xa3: {  	[sflag:s23] =	ssyncset.done $0x0  }
0xa4: {  	s25 =	simm.s32 $0x1B8E;
	s24 =	sld [smem:$0x3FFE];
	[sflag:s23] =	ssyncadd.s32 $0xFFFFFFFF  }
0xa5: {  	s26 =	simm.s32 $execute0_lowered;
	[smem:$0x3FD2] =	sst s25  }
0xa6: {  	s5 =	sshll.u32 s26, $0x1;
	_ =	strace $0x80000049;
	[dreg:$0x1] =	wrdreg $0xFFFFFFFF  }
0xa7: {  	s28 =	simm.s32 $_size_execute0_lowered;
	s3 =	sadd.s32 s3, s5;
	[dreg:$0x0] =	wrdreg $0x0  }
0xa8: {  	s5 =	sshll.u32 s28, $0x1;
	[dreg:$0x2] =	wrdreg s3  }
0xa9: {  	[dreg:$0x3] =	wrdreg s5  }
0xaa: {  	[dreg:$0x4] =	wrdreg $0xC0  }
0xab: {  	_ =	task [dreg:s7], $0x5FFFF  }
0xac: {  	[dreg:$0x1] =	wrdreg $0xFFFFFFFF  }
0xad: {  	[dreg:$0x0] =	wrdreg $0x60  }
0xae: {  	[dreg:$0x2] =	wrdreg s2  }
0xaf: {  	[dreg:$0x3] =	wrdreg s24  }
0xb0: {  	[dreg:$0x4] =	wrdreg $0x9  }
0xb1: {  	_ =	task.clear_ibuf [dreg:s7], $0x5FFFF;
	_ =	strace $0x90000049  }
0xb2: {  	s29 =	simm.s32 $0x9;
	_ =	strace $0x8000004B  }
0xb3: {  	_ =	swait.ge [sflag:s29], $0x1  }
0xb4: {  	[sflag:s29] =	ssyncadd.s32 $0xFFFFFFFF  }
0xb5: {  	_ =	strace $0x9000004B  }
0xb6: {  	_ =	sfence  }
0xb7: {  	s30 =	sld [smem:$0x0];
	_ =	sdelay $0x2  }
0xb8: {  	s31 =	sshll.u32 s1, $0xD;
	s1 =	sshrl.u32 s1, $0x2  }
0xb9: {  	s3 =	sand.u32 $0x4000, s31;
	s1 =	sadd.s32 s1, s30  }
0xba: {  	s0 =	sor.u32 s3, s0;
	s1 =	sshll.u32 s1, $0x11  }
0xbb: {  	s0 =	sor.u32 s1, s0  }
0xbc: {  	s0 =	sadd.s32 $0x8F2B, s0  }
0xbd: {  	[sflag:s0] =	ssyncadd.remote.s32 $0x1  }
0xbe: {  	_ =	sfence.sel $0xFFFF  }
0xbf: {  	[dreg:$0x0] =	wrdreg $0xFFFFFFFF;
	(pc) =	sbr.abs _section_cstart, $3  }
0xc0: {  	[dreg:$0x1] =	wrdreg $0xFFFFFFFF  }
0xc1: {  	_ =	task.clear_ibuf [dreg:s7], $0x2FFFF;
	_ =	strace $0x9FFFFFFF  }
0xc2: {  	(tm) =	ssettm $0x7FFFFFFF  }
0xc3: {  	_ =	shalt  }
tec
execute0_lowered:
.L_overlay_start_1:
0x0: {  	(tag) =	ssettag $0x1  }
0x1: {  	s1 =	rddreg [dreg:$0x0]  }
0x2: {  	s3 =	rddreg [dreg:$0x1];
	s4 =	simm.s32 $0x0  }
0x3: {  	[smem:$0x7FF] =	sst s4  }
0x4: {  	s0 =	srdreg.scid;
	s2 =	stileid.u32;
	v0 =	vimm.f32 $2.000000000e+00;
	_ =	strace $0x8000004A  }
0x5: {  	s15 =	simm.s32 $0x1;
	s16 =	simm.s32 $0x2;
	s17 =	simm.s32 $0x3;
	(erf) = vrcp.f32 v0  }
0x6: {  	s18 =	simm.s32 $0x2000;
	s19 =	simm.s32 $0x8000;
	s20 =	simm.s32 $0x4000  }
0x7: {  	s21 =	simm.s32 $0x6000;
	s22 =	simm.s32 $0x4;
	s23 =	simm.s32 $0x5  }
0x8: {  	s24 =	simm.s32 $0x6;
	s0 =	sand.u32 $0x1, s0;
	s2 =	sshll.u32 s2, $0x1  }
0x9: {  	s25 =	simm.s32 $0x7;
	s26 =	simm.s32 $0x0;
	s2 =	sor.u32 s0, s2  }
0xa: {  	s5 =	sadd.s32 $0x20000, s3;
	s0 =	ssub.s32 $0x2, s0;
	s6 =	sshll.u32 s2, $0x7  }
0xb: {  	s7 =	sadd.s32 $0x41000, s3;
	s10 =	sshrl.u32 s0, $0x1;
	s11 =	sadd.s32 s6, s3  }
0xc: {  	s8 =	sadd.s32 $0x61400, s3;
	s0 =	ssub.s32 s0, s10;
	s31 =	sadd.s32 $0x40000, s11  }
0xd: {  	v1 =	vlaneseq.u32;
	s9 =	sadd.s32 $0x81800, s3;
	s0 =	smax.u32 s0, $0x1;
	[dreg:$0x3] =	wrdreg s31  }
0xe: {  	v2 =	vimm.s32 $0x0;
	v1 =	vmul.u32 $0x800, v1;
	s6 =	sadd.s32 $0xA1C00, s3;
	s10 =	sshll.u32 s2, $0xF;
	[dreg:$0x4] =	wrdreg s0;
	v0 =	vpop (erf)  }
.LBB2_1:
0xf: {  	s0 =	rddreg [dreg:$0x3];
	s2 =	simm.s32 $0xA000;
	s31 =	simm.s32 $0x8  }
0x10: {  	[tilespmem:s2], [sflag:$0x8] =	stream.linear.gather [hbm4b:s0+s4], $0x400, $0x38;
	[tilespmem:$0xA400] =	vst v63  }
0x11: {  	_ =	swait.ge [sflag:s31], $0x400  }
0x12: {  	[sflag:s31] =	ssyncset.done $0x0  }
0x13: {  	[sflag:s31] =	ssyncadd.s32 $0xFFFFFC00  }
0x14: {  	v3 =	vld [tilespmem:$0xA000]  }
0x15: {  	v4 =	vld [tilespmem:$0xA080]  }
0x16: {  	v6 =	vld [tilespmem:$0xA100]  }
0x17: {  	v10 =	vld [tilespmem:$0xA180]  }
0x18: {  	v5 =	vld [tilespmem:$0xA200]  }
0x19: {  	v9 =	vld [tilespmem:$0xA280]  }
0x1a: {  	v7 =	vld [tilespmem:$0xA300]  }
0x1b: {  	s28 =	simm.s32 $0x0;
	v8 =	vld [tilespmem:$0xA380]  }
.LBB2_2:
0x1c: {  	s0 =	sshll.u32 s28, $0xD  }
0x1d: {  	s0 =	sadd.s32 s10, s0  }
0x1e: {  	s0 =	sshrl.u32 s0, $0x3  }
0x1f: {  	s11 =	simm.s32 $0x0;
	s2 =	sadd.s32 s1, s0  }
0x20: {  	[tilespmem:s11], [sflag:$0x1] =	stream.linear.gather [hbm4b:s2+s11], $0x2000, $0x38;
	[tilespmem:$0xA400] =	vst v63  }
0x21: {  	s12 =	simm.s32 $0x2000;
	s14 =	sadd.s32 s3, s0  }
0x22: {  	[tilespmem:s12], [sflag:$0x2] =	stream.linear.gather [hbm4b:s14+s11], $0x2000, $0x38;
	[tilespmem:$0xA400] =	vst v63  }
0x23: {  	s13 =	simm.s32 $0x4000;
	s0 =	sadd.s32 s5, s0  }
0x24: {  	[tilespmem:s13], [sflag:$0x3] =	stream.linear.gather [hbm4b:s0+s11], $0x2000, $0x38;
	[tilespmem:$0xA400] =	vst v63  }
0x25: {  	_ =	swait.ge [sflag:s15], $0x2000  }
0x26: {  	[sflag:s15] =	ssyncset.done $0x0  }
0x27: {  	[sflag:s15] =	ssyncadd.s32 $0xFFFFE000  }
0x28: {  	_ =	swait.ge [sflag:s16], $0x2000  }
0x29: {  	[sflag:s16] =	ssyncset.done $0x0  }
0x2a: {  	[sflag:s16] =	ssyncadd.s32 $0xFFFFE000  }
0x2b: {  	_ =	swait.ge [sflag:s17], $0x2000  }
0x2c: {  	[sflag:s17] =	ssyncset.done $0x0  }
0x2d: {  	[sflag:s17] =	ssyncadd.s32 $0xFFFFE000  }
0x2e: {  	v11 =	vld [tilespmem:s13+$0x0]  }
0x2f: {  	v12 =	vld [tilespmem:s11+$0x0]  }
0x30: {  	v13 =	vld [tilespmem:s12+$0x0];
	_ =	sdelay $0x3  }
0x31: {  	v12 =	vadd.f32 $1.000000000e+00, v12;
	v11 =	vadd.f32 $1.000000000e+00, v11  }
0x32: {  	v13 =	vadd.f32 $1.000000000e+00, v13  }
0x33: {  	v12 =	vmul.f32 v12, v0;
	v11 =	vmul.f32 v11, v0  }
0x34: {  	v13 =	vmul.f32 v13, v0  }
0x35: {  	v12 =	vmax.f32 v12, $0.0e+00;
	v11 =	vmax.f32 v11, $0.0e+00  }
0x36: {  	v13 =	vmax.f32 v13, $0.0e+00;
	v12 =	vmin.f32 v12, $9.900000090e-01;
	v11 =	vmin.f32 v11, $9.900000090e-01  }
0x37: {  	v13 =	vmin.f32 v13, $9.900000090e-01;
	v12 =	vadd.f32 v12, v12;
	v11 =	vadd.f32 v11, v11  }
0x38: {  	v13 =	vadd.f32 v13, v13  }
0x39: {  	s29 =	sshll.u32 s28, $0x9;
	v12 =	vtrunc.f32 v12;
	v11 =	vtrunc.f32 v11  }
0x3a: {  	s14 =	sadd.s32 $0x0, s29;
	v13 =	vtrunc.f32 v13;
	v12 =	vcvt.f32.s32 v12  }
0x3b: {  	s0 =	sor.u32 s10, s14;
	v13 =	vcvt.f32.s32 v13;
	v11 =	vcvt.f32.s32 v11  }
0x3c: {  	v15 =	vor.u32 s0, v1;
	v14 =	vand.u32 $0x1, v12  }
0x3d: {  	v13 =	vshll.u32 v13, $0x1;
	v11 =	vshll.u32 v11, $0x2;
	vm0 =	veq.s32 v14, $0x0  }
0x3e: {  	v12 =	vadd.s32 v12, v13;
	v13 =	vsel vm0, v3, v4;
	v14 =	vsel vm0, v6, v10  }
0x3f: {  	v16 =	vadd.s32 v11, v12;
	v11 =	vand.u32 $0x2, v12;
	v12 =	vsel vm0, v5, v9  }
0x40: {  	v17 =	vsel vm0, v7, v8;
	vm1 =	veq.s32 v11, $0x0;
	v11 =	vand.u32 $0x4, v16  }
0x41: {  	vm0 =	veq.s32 v11, $0x0;
	v11 =	vsel vm1, v13, v14;
	v12 =	vsel vm1, v12, v17  }
0x42: {  	s30 =	simm.s32 $0x8000;
	vm2 =	veq.s32 v16, $0x5;
	vm1 =	veq.s32 v16, $0x7;
	v11 =	vsel vm0, v11, v12  }
0x43: {  	s31 =	simm.s32 $0x6000;
	vm0 =	veq.s32 v16, $0x6;
	v13 =	vsel vm1, $0x1, v2;
	vm1 =	veq.s32 v16, $0x4;
	[tilespmem:s30+$0x0] =	vst v11  }
0x44: {  	s2 =	simm.s32 $0x4010;
	v12 =	vsel vm0, $0x1, v2;
	v11 =	vsel vm2, $0x1, v2;
	v8 =	vadd.s32 v13, v8;
	[tilespmem:s31+$0x0] =	vst v15  }
0x45: {  	s13 =	simm.s32 $0x10;
	vm0 =	veq.s32 v16, $0x3;
	vm2 =	veq.s32 v16, $0x2;
	v9 =	vadd.s32 v11, v9;
	v11 =	vld [tilespmem:s2+$0x0]  }
0x46: {  	s11 =	simm.s32 $0x2010;
	v14 =	vsel vm1, $0x1, v2;
	v7 =	vadd.s32 v12, v7;
	v13 =	vsel vm0, $0x1, v2;
	v12 =	vld [tilespmem:s13+$0x0]  }
0x47: {  	vm1 =	veq.s32 v16, $0x0;
	v15 =	vsel vm2, $0x1, v2;
	v10 =	vadd.s32 v13, v10;
	v13 =	vld [tilespmem:s11+$0x0]  }
0x48: {  	s0 =	simm.s32 $0x1;
	s12 =	simm.s32 $0x2;
	v5 =	vadd.s32 v14, v5;
	vm0 =	veq.s32 v16, $0x1;
	v6 =	vadd.s32 v15, v6  }
.LBB2_3:
0x49: {  	p0 =	sne.s32 s12, $0x1FF;
	v14 =	vsel vm1, $0x1, v2;
	v15 =	vsel vm0, $0x1, v2  }
0x4a: {  	v3 =	vadd.s32 v14, v3;
	v4 =	vadd.s32 v15, v4  }
0x4b: {  	v11 =	vadd.f32 $1.000000000e+00, v11;
	v12 =	vadd.f32 $1.000000000e+00, v12  }
0x4c: {  	v13 =	vadd.f32 $1.000000000e+00, v13  }
0x4d: {  	v11 =	vmul.f32 v11, v0;
	v12 =	vmul.f32 v12, v0  }
0x4e: {  	v13 =	vmul.f32 v13, v0  }
0x4f: {  	v11 =	vmax.f32 v11, $0.0e+00;
	v12 =	vmax.f32 v12, $0.0e+00  }
0x50: {  	v11 =	vmin.f32 v11, $9.900000090e-01;
	v12 =	vmin.f32 v12, $9.900000090e-01;
	v13 =	vmax.f32 v13, $0.0e+00  }
0x51: {  	v11 =	vadd.f32 v11, v11;
	v12 =	vadd.f32 v12, v12;
	v13 =	vmin.f32 v13, $9.900000090e-01  }
0x52: {  	v13 =	vadd.f32 v13, v13  }
0x53: {  	v11 =	vtrunc.f32 v11;
	v12 =	vtrunc.f32 v12  }
0x54: {  	s14 =	sadd.s32 s29, s0;
	s0 =	smov.u32 s12;
	v12 =	vcvt.f32.s32 v12;
	v13 =	vtrunc.f32 v13  }
0x55: {  	s14 =	sor.u32 s10, s14;
	v11 =	vcvt.f32.s32 v11;
	v13 =	vcvt.f32.s32 v13  }
0x56: {  	v15 =	vor.u32 s14, v1;
	v14 =	vand.u32 $0x1, v12  }
0x57: {  	v11 =	vshll.u32 v11, $0x2;
	v13 =	vshll.u32 v13, $0x1;
	vm0 =	veq.s32 v14, $0x0  }
0x58: {  	v12 =	vadd.s32 v12, v13;
	v13 =	vsel vm0, v3, v4;
	v14 =	vsel vm0, v6, v10  }
0x59: {  	v16 =	vadd.s32 v11, v12;
	v11 =	vand.u32 $0x2, v12;
	v12 =	vsel vm0, v5, v9  }
0x5a: {  	v17 =	vsel vm0, v7, v8;
	vm1 =	veq.s32 v11, $0x0;
	v11 =	vand.u32 $0x4, v16  }
0x5b: {  	vm0 =	veq.s32 v11, $0x0;
	v11 =	vsel vm1, v13, v14;
	v12 =	vsel vm1, v12, v17  }
0x5c: {  	s30 =	sadd.s32 $0x10, s30;
	vm1 =	veq.s32 v16, $0x7;
	v11 =	vsel vm0, v11, v12;
	vm0 =	veq.s32 v16, $0x6  }
0x5d: {  	s31 =	sadd.s32 $0x10, s31;
	vm2 =	veq.s32 v16, $0x5;
	v12 =	vsel vm1, $0x1, v2;
	[tilespmem:s30+$0x0] =	vst v11;
	v11 =	vsel vm0, $0x1, v2  }
.Ltmp0:
0x5e: {  	s2 =	sadd.s32 $0x10, s2;
	v13 =	vsel vm2, $0x1, v2;
	v8 =	vadd.s32 v12, v8;
	[tilespmem:s31+$0x0] =	vst v15;
	v7 =	vadd.s32 v11, v7;
	(pc) =	sbr.rel @p0 .LBB2_3-.Ltmp0, $4  }
0x5f: {  	s13 =	sadd.s32 $0x10, s13;
	vm1 =	veq.s32 v16, $0x4;
	v9 =	vadd.s32 v13, v9;
	vm0 =	veq.s32 v16, $0x3;
	v11 =	vld [tilespmem:s2+$0x0]  }
0x60: {  	s11 =	sadd.s32 $0x10, s11;
	vm2 =	veq.s32 v16, $0x2;
	v14 =	vsel vm0, $0x1, v2;
	v15 =	vsel vm1, $0x1, v2;
	v12 =	vld [tilespmem:s13+$0x0]  }
0x61: {  	v17 =	vsel vm2, $0x1, v2;
	v10 =	vadd.s32 v14, v10;
	v5 =	vadd.s32 v15, v5;
	v13 =	vld [tilespmem:s11+$0x0]  }
0x62: {  	s12 =	sadd.s32 $0x1, s12;
	v6 =	vadd.s32 v17, v6;
	vm1 =	veq.s32 v16, $0x0;
	vm0 =	veq.s32 v16, $0x1  }
0x63: {  	_ =	sdelay $0x1  }
0x64: {  	v11 =	vadd.f32 $1.000000000e+00, v11;
	v12 =	vadd.f32 $1.000000000e+00, v12  }
0x65: {  	v13 =	vadd.f32 $1.000000000e+00, v13  }
0x66: {  	v11 =	vmul.f32 v11, v0;
	v12 =	vmul.f32 v12, v0  }
0x67: {  	v13 =	vmul.f32 v13, v0  }
0x68: {  	v11 =	vmax.f32 v11, $0.0e+00;
	v12 =	vmax.f32 v12, $0.0e+00  }
0x69: {  	v11 =	vmin.f32 v11, $9.900000090e-01;
	v12 =	vmin.f32 v12, $9.900000090e-01;
	v13 =	vmax.f32 v13, $0.0e+00  }
0x6a: {  	v11 =	vadd.f32 v11, v11;
	v12 =	vadd.f32 v12, v12;
	v13 =	vmin.f32 v13, $9.900000090e-01  }
0x6b: {  	v13 =	vadd.f32 v13, v13  }
0x6c: {  	v11 =	vtrunc.f32 v11;
	v12 =	vtrunc.f32 v12  }
0x6d: {  	v14 =	vsel vm1, $0x1, v2;
	v12 =	vcvt.f32.s32 v12;
	v13 =	vtrunc.f32 v13  }
0x6e: {  	v15 =	vsel vm0, $0x1, v2;
	v11 =	vcvt.f32.s32 v11;
	v13 =	vcvt.f32.s32 v13  }
0x6f: {  	v3 =	vadd.s32 v14, v3;
	v4 =	vadd.s32 v15, v4;
	v50 =	vand.u32 $0x1, v12  }
0x70: {  	v11 =	vshll.u32 v11, $0x2;
	v13 =	vshll.u32 v13, $0x1;
	vm6 =	veq.s32 v50, $0x0  }
0x71: {  	v12 =	vadd.s32 v12, v13;
	v51 =	vsel vm6, v3, v4;
	v14 =	vsel vm6, v6, v10  }
0x72: {  	v52 =	vsel vm6, v5, v9;
	v11 =	vadd.s32 v11, v12;
	v12 =	vand.u32 $0x2, v12  }
0x73: {  	v16 =	vsel vm6, v7, v8;
	vm7 =	veq.s32 v12, $0x0;
	v53 =	vand.u32 $0x4, v11  }
0x74: {  	s0 =	sadd.s32 s29, s0;
	vm8 =	veq.s32 v53, $0x0;
	v54 =	vsel vm7, v51, v14;
	v55 =	vsel vm7, v52, v16  }
0x75: {  	s2 =	sadd.s32 $0x10, s30;
	s0 =	sor.u32 s10, s0;
	v12 =	vsel vm8, v54, v55  }
0x76: {  	s31 =	sadd.s32 $0x10, s31;
	v56 =	vor.u32 s0, v1;
	[tilespmem:s2+$0x0] =	vst v12  }
0x77: {  	[tilespmem:s31+$0x0] =	vst v56  }
0x78: {  	[hbm4b:s7+s18] =	stream.indirect.scatter [tilespmem:s4], [sflag:$0x4], $0x1, s19, s18, $0xb8;
	[tilespmem:$0xA400] =	vst v63  }
0x79: {  	_ = 	snop  }
0x7a: {  	[hbm4b:s8+s18] =	stream.indirect.scatter [tilespmem:s18], [sflag:$0x5], $0x1, s19, s18, $0xb8;
	[tilespmem:$0xA400] =	vst v63  }
0x7b: {  	_ = 	snop  }
0x7c: {  	[hbm4b:s9+s18] =	stream.indirect.scatter [tilespmem:s20], [sflag:$0x6], $0x1, s19, s18, $0xb8;
	[tilespmem:$0xA400] =	vst v63  }
0x7d: {  	_ = 	snop  }
0x7e: {  	[hbm4b:s6+s18] =	stream.indirect.scatter [tilespmem:s21], [sflag:$0x7], $0x1, s19, s18, $0xb8;
	[tilespmem:$0xA400] =	vst v63  }
0x7f: {  	_ =	swait.ge [sflag:s22], $0x2000  }
0x80: {  	[sflag:s22] =	ssyncset.done $0x0  }
0x81: {  	[sflag:s22] =	ssyncadd.s32 $0xFFFFE000  }
0x82: {  	_ =	swait.ge [sflag:s23], $0x2000  }
0x83: {  	vm9 =	veq.s32 v11, $0x6;
	vm10 =	veq.s32 v11, $0x7;
	vm2 =	veq.s32 v11, $0x5;
	[sflag:s23] =	ssyncset.done $0x0  }
0x84: {  	s28 =	sadd.s32 $0x1, s28;
	vm11 =	veq.s32 v11, $0x3;
	vm12 =	veq.s32 v11, $0x4;
	vm13 =	veq.s32 v11, $0x2;
	[sflag:s23] =	ssyncadd.s32 $0xFFFFE000  }
0x85: {  	p0 =	sne.s32 s28, $0x4;
	vm14 =	veq.s32 v11, $0x0;
	vm15 =	veq.s32 v11, $0x1;
	v57 =	vsel vm9, $0x1, v2;
	_ =	swait.ge [sflag:s24], $0x2000  }
.Ltmp1:
0x86: {  	v58 =	vsel vm10, $0x1, v2;
	v59 =	vsel vm2, $0x1, v2;
	v60 =	vsel vm11, $0x1, v2;
	[sflag:s24] =	ssyncset.done $0x0;
	(pc) =	sbr.rel @p0 .LBB2_2-.Ltmp1, $4  }
0x87: {  	v61 =	vsel vm12, $0x1, v2;
	v62 =	vsel vm13, $0x1, v2;
	v11 =	vsel vm14, $0x1, v2;
	[sflag:s24] =	ssyncadd.s32 $0xFFFFE000  }
0x88: {  	v63 =	vsel vm15, $0x1, v2;
	v7 =	vadd.s32 v57, v7;
	v8 =	vadd.s32 v58, v8;
	_ =	swait.ge [sflag:s25], $0x2000  }
0x89: {  	v9 =	vadd.s32 v59, v9;
	v10 =	vadd.s32 v60, v10;
	v5 =	vadd.s32 v61, v5;
	[sflag:s25] =	ssyncset.done $0x0  }
0x8a: {  	v6 =	vadd.s32 v62, v6;
	v3 =	vadd.s32 v11, v3;
	v4 =	vadd.s32 v63, v4;
	[sflag:s25] =	ssyncadd.s32 $0xFFFFE000  }
0x8b: {  	s26 =	sadd.s32 $0x1, s26;
	s0 =	rddreg [dreg:$0x4]  }
0x8c: {  	p0 =	sne.s32 s26, s0  }
.Ltmp2:
0x8d: {  	_ = 	snop;
	(pc) =	sbr.rel @p0 .LBB2_1-.Ltmp2, $1  }
0x8e: {  	_ =	sdelay $0x3  }
0x8f: {  	_ =	sfence.sel $0x180000  }
0x90: {  	[bflag:$0x0] =	sbarrier.arrive $0xFFFF  }
0x91: {  	_ =	strace $0x9000004A  }
0x92: {  	s0 =	stileid.u32;
	[bflag:$0x2] =	sbarrier.arrive $0xFFFF  }
0x93: {  	p0 =	sne.s32 s0, $0x0;
	s0 =	rddreg [dreg:$0x2]  }
0x94: {  	s0 =	sadd.s32 @!p0 $0x100000, s0  }
0x95: {  	[sflag:s0] =	ssyncadd.tile.s32 @!p0 $0x1;
	_ =	shalt  }
.Lfunc_end2:
_tile_overlayer_lowered:
.L_overlay_start_2:
0x96: {  	(tag) =	ssettag $0x2  }
0x97: {  	s0 =	rddreg [dreg:$0x0];
	s2 =	stileid.u32  }
0x98: {  	s1 =	rddreg [dreg:$0x1];
	p0 =	sne.s32 s2, $0x0  }
0x99: {  	s3 =	rddreg [dreg:$0x2];
	[bflag:$0x3] =	sbarrier.arrive $0xFFFF;
	s2 =	simm.s32 @!p0 $0x1C08  }
0x9a: {  	[timem:s3], [sflag:s2] =	dma.local @!p0 [hbm:s0], s1  }
0x9b: {  	s0 =	simm.s32 @!p0 $0x8  }
0x9c: {  	_ =	swait.ge @!p0 [sflag:s0], s1  }
0x9d: {  	s1 =	ssub.s32 @!p0 $0x0, s1;
	[sflag:s0] =	ssyncset.done @!p0 $0x0  }
0x9e: {  	[sflag:s0] =	ssyncadd.s32 @!p0 s1  }
0x9f: {  	[bflag:$0x3] =	sbarrier.arrive $0xFFFF  }
0xa0: {  	_ =	shalt  }

</sc_bundles>
